<compile_context>
chip_gen: v7x
topology: tpu7x:2x2x1
jax: 0.10.2.dev20260603
libtpu: 0.0.44.dev20260713+nightly
codegen_flags: <defaults>
</compile_context>

<pallas_src>
import functools

import jax
import jax.numpy as jnp
from jax import lax
from jax.experimental import pallas as pl
from jax.experimental.pallas import tpu as pltpu
from jax.experimental.pallas import tpu_sc as plsc

NUM_CLASSES = 401
TOP_K = 16
THRESH = 0.05
BLOCK_ROWS = 800

_CBITS = 0x3D4CCCCD


def _topk_body(x_ref, vals_ref, idx_ref):
    x = x_ref[...]
    m = jnp.max(x, axis=-1, keepdims=True)
    e = jnp.exp(x - m)
    s = jnp.sum(e, axis=-1, keepdims=True)
    r = 1.0 / s
    p = e * r
    col = jax.lax.broadcasted_iota(jnp.int32, p.shape, 1)
    mask = (col != 0) & (p > THRESH)
    bits = jax.lax.bitcast_convert_type(e, jnp.int32)
    valpart = ((bits - _CBITS) >> 4) + 1
    key = jnp.where(mask, valpart << 9, 0) | (511 - col)
    keys = []
    for _ in range(TOP_K):
        mx = jnp.max(key, axis=-1, keepdims=True)
        keys.append(mx)
        key = jnp.where(key == mx, -1, key)
    k16 = jnp.concatenate(keys, axis=-1)
    vp = k16 >> 9
    e_rec = jax.lax.bitcast_convert_type(
        ((vp - 1) << 4) + (_CBITS + 8), jnp.float32)
    vals_ref[...] = jnp.where(vp > 0, e_rec * r, 0.0)
    idx_ref[...] = 511 - (k16 & 511)


def _run_topk(x, interpret=False):
    rows = x.shape[0]
    grid = (rows // BLOCK_ROWS,)
    return pl.pallas_call(
        _topk_body,
        grid=grid,
        in_specs=[pl.BlockSpec((BLOCK_ROWS, NUM_CLASSES), lambda i: (i, 0))],
        out_specs=[
            pl.BlockSpec((BLOCK_ROWS, TOP_K), lambda i: (i, 0)),
            pl.BlockSpec((BLOCK_ROWS, TOP_K), lambda i: (i, 0)),
        ],
        out_shape=[
            jax.ShapeDtypeStruct((rows, TOP_K), jnp.float32),
            jax.ShapeDtypeStruct((rows, TOP_K), jnp.int32),
        ],
        compiler_params=pltpu.CompilerParams(
            dimension_semantics=("arbitrary",)),
        interpret=interpret,
    )(x)



_SC_NW = 32
_SC_TOTAL = 20000 * 2048
_SC_PER_W = _SC_TOTAL // _SC_NW
_SC_CHUNK = 51200
_SC_NCHUNKS = _SC_PER_W // _SC_CHUNK


def _sc_copy_body(feat_ref, out_ref, buf0, buf1, rs0, rs1, ws0, ws1):
    wid = lax.axis_index("s") * 2 + lax.axis_index("c")
    base = wid * _SC_PER_W
    bufs = (buf0, buf1)
    rsems = (rs0, rs1)
    wsems = (ws0, ws1)

    def rd(j):
        return pltpu.make_async_copy(
            feat_ref.at[pl.ds(base + j * _SC_CHUNK, _SC_CHUNK)],
            bufs[j % 2], rsems[j % 2])

    def wr(j):
        return pltpu.make_async_copy(
            bufs[j % 2],
            out_ref.at[pl.ds(base + j * _SC_CHUNK, _SC_CHUNK)],
            wsems[j % 2])

    rd(0).start()
    for j in range(_SC_NCHUNKS):
        rd(j).wait()
        wr(j).start()
        if j + 1 < _SC_NCHUNKS:
            if j >= 1:
                wr(j - 1).wait()
            rd(j + 1).start()
    wr(_SC_NCHUNKS - 2).wait()
    wr(_SC_NCHUNKS - 1).wait()


def _sc_copy(features):
    flat = features.reshape(-1)
    mesh = plsc.VectorSubcoreMesh(core_axis_name="c", subcore_axis_name="s")
    fn = pl.kernel(
        _sc_copy_body,
        out_type=jax.ShapeDtypeStruct(flat.shape, flat.dtype),
        mesh=mesh,
        scratch_types=[
            pltpu.VMEM((_SC_CHUNK,), jnp.float32),
            pltpu.VMEM((_SC_CHUNK,), jnp.float32),
            pltpu.SemaphoreType.DMA,
            pltpu.SemaphoreType.DMA,
            pltpu.SemaphoreType.DMA,
            pltpu.SemaphoreType.DMA,
        ],
    )
    return fn(flat).reshape(features.shape)


def kernel(x, features):
    feat_out = _sc_copy(features)
    attr_scores, attr_labels = _run_topk(x)
    return attr_scores, attr_labels, feat_out

# --- scband reference (transcript-rebuilt; emitter-appended) ---
"""Pipeline reference for scband-attribute-post-processor-18287970747015 (READ-ONLY COPY).

The authoritative reference and input builder live on the scoring server;
editing this copy changes nothing except your own understanding.
"""

import jax, jax.numpy as jnp
import numpy as np

MAX_NUM_ATTR = 100
MAX_NUM_ATTR_PER_OBJ = 16
ATTR_THRESH = 0.05


def setup_inputs(seed: int = 0) -> dict:
    key = jax.random.key(seed)
    k1, k2 = jax.random.split(key)
    x = jax.random.normal(k1, (20000, 401), dtype=jnp.float32)
    features = jax.random.normal(k2, (20000, 2048), dtype=jnp.float32)
    return {"x": x, "features": features}


def reference(x, features):
    # softmax over attribute classes
    probs = jax.nn.softmax(x, axis=-1)
    # zero out background class (column 0)
    scores = probs.at[:, 0].set(0.0)
    # threshold mask
    inds_all = scores > ATTR_THRESH
    number_of_detections = jnp.sum(inds_all)
    scores = jnp.where(inds_all, scores, 0.0)
    # global cap via kth-value threshold (torch.kthvalue over flattened scores,
    # k = n_det - max_num_attr + 1, 1-indexed kth smallest -> 0-based index n_det - max_num_attr)
    flat_sorted = jnp.sort(scores.reshape(-1))
    k_idx = jnp.clip(number_of_detections - MAX_NUM_ATTR, 0, flat_sorted.shape[0] - 1)
    kth_val = flat_sorted[k_idx]
    apply_cap = (number_of_detections > MAX_NUM_ATTR) & (MAX_NUM_ATTR > 0)
    cap_thresh = jnp.where(apply_cap, kth_val, -jnp.inf)
    scores = jnp.where(scores < cap_thresh, 0.0, scores)
    # per-object top-k attributes
    attr_scores, attr_labels = jax.lax.top_k(scores, MAX_NUM_ATTR_PER_OBJ)
    # output_feature=True: feature is carried through as the 'attr_feature' field
    return attr_scores, attr_labels, features

if __name__ == "__main__":
    import jax
    _d = setup_inputs()
    print(jax.jit(kernel)(*tuple(_d.values())))

</pallas_src>

<mosaic_0001>
#map = affine_map<(d0, d1) -> (0)>
module attributes {stable_mosaic.version = 14 : i64} {
  func.func @_sc_copy_body(%arg0: i32, %arg1: i32, %arg2: memref<40960000xf32, #tpu.memory_space<hbm>>, %arg3: memref<40960000xf32, #tpu.memory_space<hbm>>, %arg4: memref<51200xf32, #tpu.memory_space<vmem>>, %arg5: memref<51200xf32, #tpu.memory_space<vmem>>, %arg6: memref<!tpu.dma_semaphore, #tpu.memory_space<semaphore_mem>>, %arg7: memref<!tpu.dma_semaphore, #tpu.memory_space<semaphore_mem>>, %arg8: memref<!tpu.dma_semaphore, #tpu.memory_space<semaphore_mem>>, %arg9: memref<!tpu.dma_semaphore, #tpu.memory_space<semaphore_mem>>) attributes {dimension_semantics = [#tpu.dimension_semantics<core_parallel>, #tpu.dimension_semantics<subcore_parallel>], iteration_bounds = array<i64: 2, 16>, scalar_prefetch = 0 : i64, scratch_operands = 6 : i64, tpu.core_type = #tpu.core_type<sc_vector_subcore>, window_params = [{transform_indices = #map}, {transform_indices = #map}]} {
    %mul3A = arith.constant 2 : i32
    %mul3A_0 = arith.muli %arg1, %mul3A : i32
    %add3A = arith.addi %mul3A_0, %arg0 : i32
    %mul3A_1 = arith.constant 1280000 : i32
    %mul3A_2 = arith.muli %add3A, %mul3A_1 : i32
    %add3A_3 = arith.constant 0 : i32
    %add3A_4 = arith.addi %mul3A_2, %add3A_3 : i32
    %dma_start3A = tpu.memref_slice %arg2[%add3A_4] : memref<40960000xf32, #tpu.memory_space<hbm>> -> memref<51200xf32, #tpu.memory_space<hbm>>
    %dma_start3A_5 = tpu.memref_slice %arg2[%add3A_4] : memref<40960000xf32, #tpu.memory_space<hbm>> -> memref<51200xf32, #tpu.memory_space<hbm>>
    tpu.enqueue_dma source(%dma_start3A_5 : memref<51200xf32, #tpu.memory_space<hbm>>) target(%arg4 : memref<51200xf32, #tpu.memory_space<vmem>>) target_semaphore(%arg6 : memref<!tpu.dma_semaphore, #tpu.memory_space<semaphore_mem>>)
    %add3A_6 = arith.constant 0 : i32
    %add3A_7 = arith.addi %mul3A_2, %add3A_6 : i32
    %dma_wait3A = tpu.memref_slice %arg2[%add3A_7] : memref<40960000xf32, #tpu.memory_space<hbm>> -> memref<51200xf32, #tpu.memory_space<hbm>>
    %dma_wait3A_8 = tpu.memref_slice %arg2[%add3A_7] : memref<40960000xf32, #tpu.memory_space<hbm>> -> memref<51200xf32, #tpu.memory_space<hbm>>
    tpu.wait_dma2 semaphore(%arg6 : memref<!tpu.dma_semaphore, #tpu.memory_space<semaphore_mem>>) src(%dma_wait3A_8 : memref<51200xf32, #tpu.memory_space<hbm>>) dst(%arg4 : memref<51200xf32, #tpu.memory_space<vmem>>)
    %add3A_9 = arith.constant 0 : i32
    %add3A_10 = arith.addi %mul3A_2, %add3A_9 : i32
    %dma_start3A_11 = tpu.memref_slice %arg3[%add3A_10] : memref<40960000xf32, #tpu.memory_space<hbm>> -> memref<51200xf32, #tpu.memory_space<hbm>>
    %dma_start3A_12 = tpu.memref_slice %arg3[%add3A_10] : memref<40960000xf32, #tpu.memory_space<hbm>> -> memref<51200xf32, #tpu.memory_space<hbm>>
    tpu.enqueue_dma source(%arg4 : memref<51200xf32, #tpu.memory_space<vmem>>) target(%dma_start3A_12 : memref<51200xf32, #tpu.memory_space<hbm>>) target_semaphore(%arg8 : memref<!tpu.dma_semaphore, #tpu.memory_space<semaphore_mem>>)
    %add3A_13 = arith.constant 51200 : i32
    %add3A_14 = arith.addi %mul3A_2, %add3A_13 : i32
    %dma_start3A_15 = tpu.memref_slice %arg2[%add3A_14] : memref<40960000xf32, #tpu.memory_space<hbm>> -> memref<51200xf32, #tpu.memory_space<hbm>>
    %dma_start3A_16 = tpu.memref_slice %arg2[%add3A_14] : memref<40960000xf32, #tpu.memory_space<hbm>> -> memref<51200xf32, #tpu.memory_space<hbm>>
    tpu.enqueue_dma source(%dma_start3A_16 : memref<51200xf32, #tpu.memory_space<hbm>>) target(%arg5 : memref<51200xf32, #tpu.memory_space<vmem>>) target_semaphore(%arg7 : memref<!tpu.dma_semaphore, #tpu.memory_space<semaphore_mem>>)
    %add3A_17 = arith.constant 51200 : i32
    %add3A_18 = arith.addi %mul3A_2, %add3A_17 : i32
    %dma_wait3A_19 = tpu.memref_slice %arg2[%add3A_18] : memref<40960000xf32, #tpu.memory_space<hbm>> -> memref<51200xf32, #tpu.memory_space<hbm>>
    %dma_wait3A_20 = tpu.memref_slice %arg2[%add3A_18] : memref<40960000xf32, #tpu.memory_space<hbm>> -> memref<51200xf32, #tpu.memory_space<hbm>>
    tpu.wait_dma2 semaphore(%arg7 : memref<!tpu.dma_semaphore, #tpu.memory_space<semaphore_mem>>) src(%dma_wait3A_20 : memref<51200xf32, #tpu.memory_space<hbm>>) dst(%arg5 : memref<51200xf32, #tpu.memory_space<vmem>>)
    %add3A_21 = arith.constant 51200 : i32
    %add3A_22 = arith.addi %mul3A_2, %add3A_21 : i32
    %dma_start3A_23 = tpu.memref_slice %arg3[%add3A_22] : memref<40960000xf32, #tpu.memory_space<hbm>> -> memref<51200xf32, #tpu.memory_space<hbm>>
    %dma_start3A_24 = tpu.memref_slice %arg3[%add3A_22] : memref<40960000xf32, #tpu.memory_space<hbm>> -> memref<51200xf32, #tpu.memory_space<hbm>>
    tpu.enqueue_dma source(%arg5 : memref<51200xf32, #tpu.memory_space<vmem>>) target(%dma_start3A_24 : memref<51200xf32, #tpu.memory_space<hbm>>) target_semaphore(%arg9 : memref<!tpu.dma_semaphore, #tpu.memory_space<semaphore_mem>>)
    %add3A_25 = arith.constant 0 : i32
    %add3A_26 = arith.addi %mul3A_2, %add3A_25 : i32
    %dma_wait3A_27 = tpu.memref_slice %arg3[%add3A_26] : memref<40960000xf32, #tpu.memory_space<hbm>> -> memref<51200xf32, #tpu.memory_space<hbm>>
    %dma_wait3A_28 = tpu.memref_slice %arg3[%add3A_26] : memref<40960000xf32, #tpu.memory_space<hbm>> -> memref<51200xf32, #tpu.memory_space<hbm>>
    tpu.wait_dma2 semaphore(%arg8 : memref<!tpu.dma_semaphore, #tpu.memory_space<semaphore_mem>>) src(%arg4 : memref<51200xf32, #tpu.memory_space<vmem>>) dst(%dma_wait3A_28 : memref<51200xf32, #tpu.memory_space<hbm>>)
    %add3A_29 = arith.constant 102400 : i32
    %add3A_30 = arith.addi %mul3A_2, %add3A_29 : i32
    %dma_start3A_31 = tpu.memref_slice %arg2[%add3A_30] : memref<40960000xf32, #tpu.memory_space<hbm>> -> memref<51200xf32, #tpu.memory_space<hbm>>
    %dma_start3A_32 = tpu.memref_slice %arg2[%add3A_30] : memref<40960000xf32, #tpu.memory_space<hbm>> -> memref<51200xf32, #tpu.memory_space<hbm>>
    tpu.enqueue_dma source(%dma_start3A_32 : memref<51200xf32, #tpu.memory_space<hbm>>) target(%arg4 : memref<51200xf32, #tpu.memory_space<vmem>>) target_semaphore(%arg6 : memref<!tpu.dma_semaphore, #tpu.memory_space<semaphore_mem>>)
    %add3A_33 = arith.constant 102400 : i32
    %add3A_34 = arith.addi %mul3A_2, %add3A_33 : i32
    %dma_wait3A_35 = tpu.memref_slice %arg2[%add3A_34] : memref<40960000xf32, #tpu.memory_space<hbm>> -> memref<51200xf32, #tpu.memory_space<hbm>>
    %dma_wait3A_36 = tpu.memref_slice %arg2[%add3A_34] : memref<40960000xf32, #tpu.memory_space<hbm>> -> memref<51200xf32, #tpu.memory_space<hbm>>
    tpu.wait_dma2 semaphore(%arg6 : memref<!tpu.dma_semaphore, #tpu.memory_space<semaphore_mem>>) src(%dma_wait3A_36 : memref<51200xf32, #tpu.memory_space<hbm>>) dst(%arg4 : memref<51200xf32, #tpu.memory_space<vmem>>)
    %add3A_37 = arith.constant 102400 : i32
    %add3A_38 = arith.addi %mul3A_2, %add3A_37 : i32
    %dma_start3A_39 = tpu.memref_slice %arg3[%add3A_38] : memref<40960000xf32, #tpu.memory_space<hbm>> -> memref<51200xf32, #tpu.memory_space<hbm>>
    %dma_start3A_40 = tpu.memref_slice %arg3[%add3A_38] : memref<40960000xf32, #tpu.memory_space<hbm>> -> memref<51200xf32, #tpu.memory_space<hbm>>
    tpu.enqueue_dma source(%arg4 : memref<51200xf32, #tpu.memory_space<vmem>>) target(%dma_start3A_40 : memref<51200xf32, #tpu.memory_space<hbm>>) target_semaphore(%arg8 : memref<!tpu.dma_semaphore, #tpu.memory_space<semaphore_mem>>)
    %add3A_41 = arith.constant 51200 : i32
    %add3A_42 = arith.addi %mul3A_2, %add3A_41 : i32
    %dma_wait3A_43 = tpu.memref_slice %arg3[%add3A_42] : memref<40960000xf32, #tpu.memory_space<hbm>> -> memref<51200xf32, #tpu.memory_space<hbm>>
    %dma_wait3A_44 = tpu.memref_slice %arg3[%add3A_42] : memref<40960000xf32, #tpu.memory_space<hbm>> -> memref<51200xf32, #tpu.memory_space<hbm>>
    tpu.wait_dma2 semaphore(%arg9 : memref<!tpu.dma_semaphore, #tpu.memory_space<semaphore_mem>>) src(%arg5 : memref<51200xf32, #tpu.memory_space<vmem>>) dst(%dma_wait3A_44 : memref<51200xf32, #tpu.memory_space<hbm>>)
    %add3A_45 = arith.constant 153600 : i32
    %add3A_46 = arith.addi %mul3A_2, %add3A_45 : i32
    %dma_start3A_47 = tpu.memref_slice %arg2[%add3A_46] : memref<40960000xf32, #tpu.memory_space<hbm>> -> memref<51200xf32, #tpu.memory_space<hbm>>
    %dma_start3A_48 = tpu.memref_slice %arg2[%add3A_46] : memref<40960000xf32, #tpu.memory_space<hbm>> -> memref<51200xf32, #tpu.memory_space<hbm>>
    tpu.enqueue_dma source(%dma_start3A_48 : memref<51200xf32, #tpu.memory_space<hbm>>) target(%arg5 : memref<51200xf32, #tpu.memory_space<vmem>>) target_semaphore(%arg7 : memref<!tpu.dma_semaphore, #tpu.memory_space<semaphore_mem>>)
    %add3A_49 = arith.constant 153600 : i32
    %add3A_50 = arith.addi %mul3A_2, %add3A_49 : i32
    %dma_wait3A_51 = tpu.memref_slice %arg2[%add3A_50] : memref<40960000xf32, #tpu.memory_space<hbm>> -> memref<51200xf32, #tpu.memory_space<hbm>>
    %dma_wait3A_52 = tpu.memref_slice %arg2[%add3A_50] : memref<40960000xf32, #tpu.memory_space<hbm>> -> memref<51200xf32, #tpu.memory_space<hbm>>
    tpu.wait_dma2 semaphore(%arg7 : memref<!tpu.dma_semaphore, #tpu.memory_space<semaphore_mem>>) src(%dma_wait3A_52 : memref<51200xf32, #tpu.memory_space<hbm>>) dst(%arg5 : memref<51200xf32, #tpu.memory_space<vmem>>)
    %add3A_53 = arith.constant 153600 : i32
    %add3A_54 = arith.addi %mul3A_2, %add3A_53 : i32
    %dma_start3A_55 = tpu.memref_slice %arg3[%add3A_54] : memref<40960000xf32, #tpu.memory_space<hbm>> -> memref<51200xf32, #tpu.memory_space<hbm>>
    %dma_start3A_56 = tpu.memref_slice %arg3[%add3A_54] : memref<40960000xf32, #tpu.memory_space<hbm>> -> memref<51200xf32, #tpu.memory_space<hbm>>
    tpu.enqueue_dma source(%arg5 : memref<51200xf32, #tpu.memory_space<vmem>>) target(%dma_start3A_56 : memref<51200xf32, #tpu.memory_space<hbm>>) target_semaphore(%arg9 : memref<!tpu.dma_semaphore, #tpu.memory_space<semaphore_mem>>)
    %add3A_57 = arith.constant 102400 : i32
    %add3A_58 = arith.addi %mul3A_2, %add3A_57 : i32
    %dma_wait3A_59 = tpu.memref_slice %arg3[%add3A_58] : memref<40960000xf32, #tpu.memory_space<hbm>> -> memref<51200xf32, #tpu.memory_space<hbm>>
    %dma_wait3A_60 = tpu.memref_slice %arg3[%add3A_58] : memref<40960000xf32, #tpu.memory_space<hbm>> -> memref<51200xf32, #tpu.memory_space<hbm>>
    tpu.wait_dma2 semaphore(%arg8 : memref<!tpu.dma_semaphore, #tpu.memory_space<semaphore_mem>>) src(%arg4 : memref<51200xf32, #tpu.memory_space<vmem>>) dst(%dma_wait3A_60 : memref<51200xf32, #tpu.memory_space<hbm>>)
    %add3A_61 = arith.constant 204800 : i32
    %add3A_62 = arith.addi %mul3A_2, %add3A_61 : i32
    %dma_start3A_63 = tpu.memref_slice %arg2[%add3A_62] : memref<40960000xf32, #tpu.memory_space<hbm>> -> memref<51200xf32, #tpu.memory_space<hbm>>
    %dma_start3A_64 = tpu.memref_slice %arg2[%add3A_62] : memref<40960000xf32, #tpu.memory_space<hbm>> -> memref<51200xf32, #tpu.memory_space<hbm>>
    tpu.enqueue_dma source(%dma_start3A_64 : memref<51200xf32, #tpu.memory_space<hbm>>) target(%arg4 : memref<51200xf32, #tpu.memory_space<vmem>>) target_semaphore(%arg6 : memref<!tpu.dma_semaphore, #tpu.memory_space<semaphore_mem>>)
    %add3A_65 = arith.constant 204800 : i32
    %add3A_66 = arith.addi %mul3A_2, %add3A_65 : i32
    %dma_wait3A_67 = tpu.memref_slice %arg2[%add3A_66] : memref<40960000xf32, #tpu.memory_space<hbm>> -> memref<51200xf32, #tpu.memory_space<hbm>>
    %dma_wait3A_68 = tpu.memref_slice %arg2[%add3A_66] : memref<40960000xf32, #tpu.memory_space<hbm>> -> memref<51200xf32, #tpu.memory_space<hbm>>
    tpu.wait_dma2 semaphore(%arg6 : memref<!tpu.dma_semaphore, #tpu.memory_space<semaphore_mem>>) src(%dma_wait3A_68 : memref<51200xf32, #tpu.memory_space<hbm>>) dst(%arg4 : memref<51200xf32, #tpu.memory_space<vmem>>)
    %add3A_69 = arith.constant 204800 : i32
    %add3A_70 = arith.addi %mul3A_2, %add3A_69 : i32
    %dma_start3A_71 = tpu.memref_slice %arg3[%add3A_70] : memref<40960000xf32, #tpu.memory_space<hbm>> -> memref<51200xf32, #tpu.memory_space<hbm>>
    %dma_start3A_72 = tpu.memref_slice %arg3[%add3A_70] : memref<40960000xf32, #tpu.memory_space<hbm>> -> memref<51200xf32, #tpu.memory_space<hbm>>
    tpu.enqueue_dma source(%arg4 : memref<51200xf32, #tpu.memory_space<vmem>>) target(%dma_start3A_72 : memref<51200xf32, #tpu.memory_space<hbm>>) target_semaphore(%arg8 : memref<!tpu.dma_semaphore, #tpu.memory_space<semaphore_mem>>)
    %add3A_73 = arith.constant 153600 : i32
    %add3A_74 = arith.addi %mul3A_2, %add3A_73 : i32
    %dma_wait3A_75 = tpu.memref_slice %arg3[%add3A_74] : memref<40960000xf32, #tpu.memory_space<hbm>> -> memref<51200xf32, #tpu.memory_space<hbm>>
    %dma_wait3A_76 = tpu.memref_slice %arg3[%add3A_74] : memref<40960000xf32, #tpu.memory_space<hbm>> -> memref<51200xf32, #tpu.memory_space<hbm>>
    tpu.wait_dma2 semaphore(%arg9 : memref<!tpu.dma_semaphore, #tpu.memory_space<semaphore_mem>>) src(%arg5 : memref<51200xf32, #tpu.memory_space<vmem>>) dst(%dma_wait3A_76 : memref<51200xf32, #tpu.memory_space<hbm>>)
    %add3A_77 = arith.constant 256000 : i32
    %add3A_78 = arith.addi %mul3A_2, %add3A_77 : i32
    %dma_start3A_79 = tpu.memref_slice %arg2[%add3A_78] : memref<40960000xf32, #tpu.memory_space<hbm>> -> memref<51200xf32, #tpu.memory_space<hbm>>
    %dma_start3A_80 = tpu.memref_slice %arg2[%add3A_78] : memref<40960000xf32, #tpu.memory_space<hbm>> -> memref<51200xf32, #tpu.memory_space<hbm>>
    tpu.enqueue_dma source(%dma_start3A_80 : memref<51200xf32, #tpu.memory_space<hbm>>) target(%arg5 : memref<51200xf32, #tpu.memory_space<vmem>>) target_semaphore(%arg7 : memref<!tpu.dma_semaphore, #tpu.memory_space<semaphore_mem>>)
    %add3A_81 = arith.constant 256000 : i32
    %add3A_82 = arith.addi %mul3A_2, %add3A_81 : i32
    %dma_wait3A_83 = tpu.memref_slice %arg2[%add3A_82] : memref<40960000xf32, #tpu.memory_space<hbm>> -> memref<51200xf32, #tpu.memory_space<hbm>>
    %dma_wait3A_84 = tpu.memref_slice %arg2[%add3A_82] : memref<40960000xf32, #tpu.memory_space<hbm>> -> memref<51200xf32, #tpu.memory_space<hbm>>
    tpu.wait_dma2 semaphore(%arg7 : memref<!tpu.dma_semaphore, #tpu.memory_space<semaphore_mem>>) src(%dma_wait3A_84 : memref<51200xf32, #tpu.memory_space<hbm>>) dst(%arg5 : memref<51200xf32, #tpu.memory_space<vmem>>)
    %add3A_85 = arith.constant 256000 : i32
    %add3A_86 = arith.addi %mul3A_2, %add3A_85 : i32
    %dma_start3A_87 = tpu.memref_slice %arg3[%add3A_86] : memref<40960000xf32, #tpu.memory_space<hbm>> -> memref<51200xf32, #tpu.memory_space<hbm>>
    %dma_start3A_88 = tpu.memref_slice %arg3[%add3A_86] : memref<40960000xf32, #tpu.memory_space<hbm>> -> memref<51200xf32, #tpu.memory_space<hbm>>
    tpu.enqueue_dma source(%arg5 : memref<51200xf32, #tpu.memory_space<vmem>>) target(%dma_start3A_88 : memref<51200xf32, #tpu.memory_space<hbm>>) target_semaphore(%arg9 : memref<!tpu.dma_semaphore, #tpu.memory_space<semaphore_mem>>)
    %add3A_89 = arith.constant 204800 : i32
    %add3A_90 = arith.addi %mul3A_2, %add3A_89 : i32
    %dma_wait3A_91 = tpu.memref_slice %arg3[%add3A_90] : memref<40960000xf32, #tpu.memory_space<hbm>> -> memref<51200xf32, #tpu.memory_space<hbm>>
    %dma_wait3A_92 = tpu.memref_slice %arg3[%add3A_90] : memref<40960000xf32, #tpu.memory_space<hbm>> -> memref<51200xf32, #tpu.memory_space<hbm>>
    tpu.wait_dma2 semaphore(%arg8 : memref<!tpu.dma_semaphore, #tpu.memory_space<semaphore_mem>>) src(%arg4 : memref<51200xf32, #tpu.memory_space<vmem>>) dst(%dma_wait3A_92 : memref<51200xf32, #tpu.memory_space<hbm>>)
    %add3A_93 = arith.constant 307200 : i32
    %add3A_94 = arith.addi %mul3A_2, %add3A_93 : i32
    %dma_start3A_95 = tpu.memref_slice %arg2[%add3A_94] : memref<40960000xf32, #tpu.memory_space<hbm>> -> memref<51200xf32, #tpu.memory_space<hbm>>
    %dma_start3A_96 = tpu.memref_slice %arg2[%add3A_94] : memref<40960000xf32, #tpu.memory_space<hbm>> -> memref<51200xf32, #tpu.memory_space<hbm>>
    tpu.enqueue_dma source(%dma_start3A_96 : memref<51200xf32, #tpu.memory_space<hbm>>) target(%arg4 : memref<51200xf32, #tpu.memory_space<vmem>>) target_semaphore(%arg6 : memref<!tpu.dma_semaphore, #tpu.memory_space<semaphore_mem>>)
    %add3A_97 = arith.constant 307200 : i32
    %add3A_98 = arith.addi %mul3A_2, %add3A_97 : i32
    %dma_wait3A_99 = tpu.memref_slice %arg2[%add3A_98] : memref<40960000xf32, #tpu.memory_space<hbm>> -> memref<51200xf32, #tpu.memory_space<hbm>>
    %dma_wait3A_100 = tpu.memref_slice %arg2[%add3A_98] : memref<40960000xf32, #tpu.memory_space<hbm>> -> memref<51200xf32, #tpu.memory_space<hbm>>
    tpu.wait_dma2 semaphore(%arg6 : memref<!tpu.dma_semaphore, #tpu.memory_space<semaphore_mem>>) src(%dma_wait3A_100 : memref<51200xf32, #tpu.memory_space<hbm>>) dst(%arg4 : memref<51200xf32, #tpu.memory_space<vmem>>)
    %add3A_101 = arith.constant 307200 : i32
    %add3A_102 = arith.addi %mul3A_2, %add3A_101 : i32
    %dma_start3A_103 = tpu.memref_slice %arg3[%add3A_102] : memref<40960000xf32, #tpu.memory_space<hbm>> -> memref<51200xf32, #tpu.memory_space<hbm>>
    %dma_start3A_104 = tpu.memref_slice %arg3[%add3A_102] : memref<40960000xf32, #tpu.memory_space<hbm>> -> memref<51200xf32, #tpu.memory_space<hbm>>
    tpu.enqueue_dma source(%arg4 : memref<51200xf32, #tpu.memory_space<vmem>>) target(%dma_start3A_104 : memref<51200xf32, #tpu.memory_space<hbm>>) target_semaphore(%arg8 : memref<!tpu.dma_semaphore, #tpu.memory_space<semaphore_mem>>)
    %add3A_105 = arith.constant 256000 : i32
    %add3A_106 = arith.addi %mul3A_2, %add3A_105 : i32
    %dma_wait3A_107 = tpu.memref_slice %arg3[%add3A_106] : memref<40960000xf32, #tpu.memory_space<hbm>> -> memref<51200xf32, #tpu.memory_space<hbm>>
    %dma_wait3A_108 = tpu.memref_slice %arg3[%add3A_106] : memref<40960000xf32, #tpu.memory_space<hbm>> -> memref<51200xf32, #tpu.memory_space<hbm>>
    tpu.wait_dma2 semaphore(%arg9 : memref<!tpu.dma_semaphore, #tpu.memory_space<semaphore_mem>>) src(%arg5 : memref<51200xf32, #tpu.memory_space<vmem>>) dst(%dma_wait3A_108 : memref<51200xf32, #tpu.memory_space<hbm>>)
    %add3A_109 = arith.constant 358400 : i32
    %add3A_110 = arith.addi %mul3A_2, %add3A_109 : i32
    %dma_start3A_111 = tpu.memref_slice %arg2[%add3A_110] : memref<40960000xf32, #tpu.memory_space<hbm>> -> memref<51200xf32, #tpu.memory_space<hbm>>
    %dma_start3A_112 = tpu.memref_slice %arg2[%add3A_110] : memref<40960000xf32, #tpu.memory_space<hbm>> -> memref<51200xf32, #tpu.memory_space<hbm>>
    tpu.enqueue_dma source(%dma_start3A_112 : memref<51200xf32, #tpu.memory_space<hbm>>) target(%arg5 : memref<51200xf32, #tpu.memory_space<vmem>>) target_semaphore(%arg7 : memref<!tpu.dma_semaphore, #tpu.memory_space<semaphore_mem>>)
    %add3A_113 = arith.constant 358400 : i32
    %add3A_114 = arith.addi %mul3A_2, %add3A_113 : i32
    %dma_wait3A_115 = tpu.memref_slice %arg2[%add3A_114] : memref<40960000xf32, #tpu.memory_space<hbm>> -> memref<51200xf32, #tpu.memory_space<hbm>>
    %dma_wait3A_116 = tpu.memref_slice %arg2[%add3A_114] : memref<40960000xf32, #tpu.memory_space<hbm>> -> memref<51200xf32, #tpu.memory_space<hbm>>
    tpu.wait_dma2 semaphore(%arg7 : memref<!tpu.dma_semaphore, #tpu.memory_space<semaphore_mem>>) src(%dma_wait3A_116 : memref<51200xf32, #tpu.memory_space<hbm>>) dst(%arg5 : memref<51200xf32, #tpu.memory_space<vmem>>)
    %add3A_117 = arith.constant 358400 : i32
    %add3A_118 = arith.addi %mul3A_2, %add3A_117 : i32
    %dma_start3A_119 = tpu.memref_slice %arg3[%add3A_118] : memref<40960000xf32, #tpu.memory_space<hbm>> -> memref<51200xf32, #tpu.memory_space<hbm>>
    %dma_start3A_120 = tpu.memref_slice %arg3[%add3A_118] : memref<40960000xf32, #tpu.memory_space<hbm>> -> memref<51200xf32, #tpu.memory_space<hbm>>
    tpu.enqueue_dma source(%arg5 : memref<51200xf32, #tpu.memory_space<vmem>>) target(%dma_start3A_120 : memref<51200xf32, #tpu.memory_space<hbm>>) target_semaphore(%arg9 : memref<!tpu.dma_semaphore, #tpu.memory_space<semaphore_mem>>)
    %add3A_121 = arith.constant 307200 : i32
    %add3A_122 = arith.addi %mul3A_2, %add3A_121 : i32
    %dma_wait3A_123 = tpu.memref_slice %arg3[%add3A_122] : memref<40960000xf32, #tpu.memory_space<hbm>> -> memref<51200xf32, #tpu.memory_space<hbm>>
    %dma_wait3A_124 = tpu.memref_slice %arg3[%add3A_122] : memref<40960000xf32, #tpu.memory_space<hbm>> -> memref<51200xf32, #tpu.memory_space<hbm>>
    tpu.wait_dma2 semaphore(%arg8 : memref<!tpu.dma_semaphore, #tpu.memory_space<semaphore_mem>>) src(%arg4 : memref<51200xf32, #tpu.memory_space<vmem>>) dst(%dma_wait3A_124 : memref<51200xf32, #tpu.memory_space<hbm>>)
    %add3A_125 = arith.constant 409600 : i32
    %add3A_126 = arith.addi %mul3A_2, %add3A_125 : i32
    %dma_start3A_127 = tpu.memref_slice %arg2[%add3A_126] : memref<40960000xf32, #tpu.memory_space<hbm>> -> memref<51200xf32, #tpu.memory_space<hbm>>
    %dma_start3A_128 = tpu.memref_slice %arg2[%add3A_126] : memref<40960000xf32, #tpu.memory_space<hbm>> -> memref<51200xf32, #tpu.memory_space<hbm>>
    tpu.enqueue_dma source(%dma_start3A_128 : memref<51200xf32, #tpu.memory_space<hbm>>) target(%arg4 : memref<51200xf32, #tpu.memory_space<vmem>>) target_semaphore(%arg6 : memref<!tpu.dma_semaphore, #tpu.memory_space<semaphore_mem>>)
    %add3A_129 = arith.constant 409600 : i32
    %add3A_130 = arith.addi %mul3A_2, %add3A_129 : i32
    %dma_wait3A_131 = tpu.memref_slice %arg2[%add3A_130] : memref<40960000xf32, #tpu.memory_space<hbm>> -> memref<51200xf32, #tpu.memory_space<hbm>>
    %dma_wait3A_132 = tpu.memref_slice %arg2[%add3A_130] : memref<40960000xf32, #tpu.memory_space<hbm>> -> memref<51200xf32, #tpu.memory_space<hbm>>
    tpu.wait_dma2 semaphore(%arg6 : memref<!tpu.dma_semaphore, #tpu.memory_space<semaphore_mem>>) src(%dma_wait3A_132 : memref<51200xf32, #tpu.memory_space<hbm>>) dst(%arg4 : memref<51200xf32, #tpu.memory_space<vmem>>)
    %add3A_133 = arith.constant 409600 : i32
    %add3A_134 = arith.addi %mul3A_2, %add3A_133 : i32
    %dma_start3A_135 = tpu.memref_slice %arg3[%add3A_134] : memref<40960000xf32, #tpu.memory_space<hbm>> -> memref<51200xf32, #tpu.memory_space<hbm>>
    %dma_start3A_136 = tpu.memref_slice %arg3[%add3A_134] : memref<40960000xf32, #tpu.memory_space<hbm>> -> memref<51200xf32, #tpu.memory_space<hbm>>
    tpu.enqueue_dma source(%arg4 : memref<51200xf32, #tpu.memory_space<vmem>>) target(%dma_start3A_136 : memref<51200xf32, #tpu.memory_space<hbm>>) target_semaphore(%arg8 : memref<!tpu.dma_semaphore, #tpu.memory_space<semaphore_mem>>)
    %add3A_137 = arith.constant 358400 : i32
    %add3A_138 = arith.addi %mul3A_2, %add3A_137 : i32
    %dma_wait3A_139 = tpu.memref_slice %arg3[%add3A_138] : memref<40960000xf32, #tpu.memory_space<hbm>> -> memref<51200xf32, #tpu.memory_space<hbm>>
    %dma_wait3A_140 = tpu.memref_slice %arg3[%add3A_138] : memref<40960000xf32, #tpu.memory_space<hbm>> -> memref<51200xf32, #tpu.memory_space<hbm>>
    tpu.wait_dma2 semaphore(%arg9 : memref<!tpu.dma_semaphore, #tpu.memory_space<semaphore_mem>>) src(%arg5 : memref<51200xf32, #tpu.memory_space<vmem>>) dst(%dma_wait3A_140 : memref<51200xf32, #tpu.memory_space<hbm>>)
    %add3A_141 = arith.constant 460800 : i32
    %add3A_142 = arith.addi %mul3A_2, %add3A_141 : i32
    %dma_start3A_143 = tpu.memref_slice %arg2[%add3A_142] : memref<40960000xf32, #tpu.memory_space<hbm>> -> memref<51200xf32, #tpu.memory_space<hbm>>
    %dma_start3A_144 = tpu.memref_slice %arg2[%add3A_142] : memref<40960000xf32, #tpu.memory_space<hbm>> -> memref<51200xf32, #tpu.memory_space<hbm>>
    tpu.enqueue_dma source(%dma_start3A_144 : memref<51200xf32, #tpu.memory_space<hbm>>) target(%arg5 : memref<51200xf32, #tpu.memory_space<vmem>>) target_semaphore(%arg7 : memref<!tpu.dma_semaphore, #tpu.memory_space<semaphore_mem>>)
    %add3A_145 = arith.constant 460800 : i32
    %add3A_146 = arith.addi %mul3A_2, %add3A_145 : i32
    %dma_wait3A_147 = tpu.memref_slice %arg2[%add3A_146] : memref<40960000xf32, #tpu.memory_space<hbm>> -> memref<51200xf32, #tpu.memory_space<hbm>>
    %dma_wait3A_148 = tpu.memref_slice %arg2[%add3A_146] : memref<40960000xf32, #tpu.memory_space<hbm>> -> memref<51200xf32, #tpu.memory_space<hbm>>
    tpu.wait_dma2 semaphore(%arg7 : memref<!tpu.dma_semaphore, #tpu.memory_space<semaphore_mem>>) src(%dma_wait3A_148 : memref<51200xf32, #tpu.memory_space<hbm>>) dst(%arg5 : memref<51200xf32, #tpu.memory_space<vmem>>)
    %add3A_149 = arith.constant 460800 : i32
    %add3A_150 = arith.addi %mul3A_2, %add3A_149 : i32
    %dma_start3A_151 = tpu.memref_slice %arg3[%add3A_150] : memref<40960000xf32, #tpu.memory_space<hbm>> -> memref<51200xf32, #tpu.memory_space<hbm>>
    %dma_start3A_152 = tpu.memref_slice %arg3[%add3A_150] : memref<40960000xf32, #tpu.memory_space<hbm>> -> memref<51200xf32, #tpu.memory_space<hbm>>
    tpu.enqueue_dma source(%arg5 : memref<51200xf32, #tpu.memory_space<vmem>>) target(%dma_start3A_152 : memref<51200xf32, #tpu.memory_space<hbm>>) target_semaphore(%arg9 : memref<!tpu.dma_semaphore, #tpu.memory_space<semaphore_mem>>)
    %add3A_153 = arith.constant 409600 : i32
    %add3A_154 = arith.addi %mul3A_2, %add3A_153 : i32
    %dma_wait3A_155 = tpu.memref_slice %arg3[%add3A_154] : memref<40960000xf32, #tpu.memory_space<hbm>> -> memref<51200xf32, #tpu.memory_space<hbm>>
    %dma_wait3A_156 = tpu.memref_slice %arg3[%add3A_154] : memref<40960000xf32, #tpu.memory_space<hbm>> -> memref<51200xf32, #tpu.memory_space<hbm>>
    tpu.wait_dma2 semaphore(%arg8 : memref<!tpu.dma_semaphore, #tpu.memory_space<semaphore_mem>>) src(%arg4 : memref<51200xf32, #tpu.memory_space<vmem>>) dst(%dma_wait3A_156 : memref<51200xf32, #tpu.memory_space<hbm>>)
    %add3A_157 = arith.constant 512000 : i32
    %add3A_158 = arith.addi %mul3A_2, %add3A_157 : i32
    %dma_start3A_159 = tpu.memref_slice %arg2[%add3A_158] : memref<40960000xf32, #tpu.memory_space<hbm>> -> memref<51200xf32, #tpu.memory_space<hbm>>
    %dma_start3A_160 = tpu.memref_slice %arg2[%add3A_158] : memref<40960000xf32, #tpu.memory_space<hbm>> -> memref<51200xf32, #tpu.memory_space<hbm>>
    tpu.enqueue_dma source(%dma_start3A_160 : memref<51200xf32, #tpu.memory_space<hbm>>) target(%arg4 : memref<51200xf32, #tpu.memory_space<vmem>>) target_semaphore(%arg6 : memref<!tpu.dma_semaphore, #tpu.memory_space<semaphore_mem>>)
    %add3A_161 = arith.constant 512000 : i32
    %add3A_162 = arith.addi %mul3A_2, %add3A_161 : i32
    %dma_wait3A_163 = tpu.memref_slice %arg2[%add3A_162] : memref<40960000xf32, #tpu.memory_space<hbm>> -> memref<51200xf32, #tpu.memory_space<hbm>>
    %dma_wait3A_164 = tpu.memref_slice %arg2[%add3A_162] : memref<40960000xf32, #tpu.memory_space<hbm>> -> memref<51200xf32, #tpu.memory_space<hbm>>
    tpu.wait_dma2 semaphore(%arg6 : memref<!tpu.dma_semaphore, #tpu.memory_space<semaphore_mem>>) src(%dma_wait3A_164 : memref<51200xf32, #tpu.memory_space<hbm>>) dst(%arg4 : memref<51200xf32, #tpu.memory_space<vmem>>)
    %add3A_165 = arith.constant 512000 : i32
    %add3A_166 = arith.addi %mul3A_2, %add3A_165 : i32
    %dma_start3A_167 = tpu.memref_slice %arg3[%add3A_166] : memref<40960000xf32, #tpu.memory_space<hbm>> -> memref<51200xf32, #tpu.memory_space<hbm>>
    %dma_start3A_168 = tpu.memref_slice %arg3[%add3A_166] : memref<40960000xf32, #tpu.memory_space<hbm>> -> memref<51200xf32, #tpu.memory_space<hbm>>
    tpu.enqueue_dma source(%arg4 : memref<51200xf32, #tpu.memory_space<vmem>>) target(%dma_start3A_168 : memref<51200xf32, #tpu.memory_space<hbm>>) target_semaphore(%arg8 : memref<!tpu.dma_semaphore, #tpu.memory_space<semaphore_mem>>)
    %add3A_169 = arith.constant 460800 : i32
    %add3A_170 = arith.addi %mul3A_2, %add3A_169 : i32
    %dma_wait3A_171 = tpu.memref_slice %arg3[%add3A_170] : memref<40960000xf32, #tpu.memory_space<hbm>> -> memref<51200xf32, #tpu.memory_space<hbm>>
    %dma_wait3A_172 = tpu.memref_slice %arg3[%add3A_170] : memref<40960000xf32, #tpu.memory_space<hbm>> -> memref<51200xf32, #tpu.memory_space<hbm>>
    tpu.wait_dma2 semaphore(%arg9 : memref<!tpu.dma_semaphore, #tpu.memory_space<semaphore_mem>>) src(%arg5 : memref<51200xf32, #tpu.memory_space<vmem>>) dst(%dma_wait3A_172 : memref<51200xf32, #tpu.memory_space<hbm>>)
    %add3A_173 = arith.constant 563200 : i32
    %add3A_174 = arith.addi %mul3A_2, %add3A_173 : i32
    %dma_start3A_175 = tpu.memref_slice %arg2[%add3A_174] : memref<40960000xf32, #tpu.memory_space<hbm>> -> memref<51200xf32, #tpu.memory_space<hbm>>
    %dma_start3A_176 = tpu.memref_slice %arg2[%add3A_174] : memref<40960000xf32, #tpu.memory_space<hbm>> -> memref<51200xf32, #tpu.memory_space<hbm>>
    tpu.enqueue_dma source(%dma_start3A_176 : memref<51200xf32, #tpu.memory_space<hbm>>) target(%arg5 : memref<51200xf32, #tpu.memory_space<vmem>>) target_semaphore(%arg7 : memref<!tpu.dma_semaphore, #tpu.memory_space<semaphore_mem>>)
    %add3A_177 = arith.constant 563200 : i32
    %add3A_178 = arith.addi %mul3A_2, %add3A_177 : i32
    %dma_wait3A_179 = tpu.memref_slice %arg2[%add3A_178] : memref<40960000xf32, #tpu.memory_space<hbm>> -> memref<51200xf32, #tpu.memory_space<hbm>>
    %dma_wait3A_180 = tpu.memref_slice %arg2[%add3A_178] : memref<40960000xf32, #tpu.memory_space<hbm>> -> memref<51200xf32, #tpu.memory_space<hbm>>
    tpu.wait_dma2 semaphore(%arg7 : memref<!tpu.dma_semaphore, #tpu.memory_space<semaphore_mem>>) src(%dma_wait3A_180 : memref<51200xf32, #tpu.memory_space<hbm>>) dst(%arg5 : memref<51200xf32, #tpu.memory_space<vmem>>)
    %add3A_181 = arith.constant 563200 : i32
    %add3A_182 = arith.addi %mul3A_2, %add3A_181 : i32
    %dma_start3A_183 = tpu.memref_slice %arg3[%add3A_182] : memref<40960000xf32, #tpu.memory_space<hbm>> -> memref<51200xf32, #tpu.memory_space<hbm>>
    %dma_start3A_184 = tpu.memref_slice %arg3[%add3A_182] : memref<40960000xf32, #tpu.memory_space<hbm>> -> memref<51200xf32, #tpu.memory_space<hbm>>
    tpu.enqueue_dma source(%arg5 : memref<51200xf32, #tpu.memory_space<vmem>>) target(%dma_start3A_184 : memref<51200xf32, #tpu.memory_space<hbm>>) target_semaphore(%arg9 : memref<!tpu.dma_semaphore, #tpu.memory_space<semaphore_mem>>)
    %add3A_185 = arith.constant 512000 : i32
    %add3A_186 = arith.addi %mul3A_2, %add3A_185 : i32
    %dma_wait3A_187 = tpu.memref_slice %arg3[%add3A_186] : memref<40960000xf32, #tpu.memory_space<hbm>> -> memref<51200xf32, #tpu.memory_space<hbm>>
    %dma_wait3A_188 = tpu.memref_slice %arg3[%add3A_186] : memref<40960000xf32, #tpu.memory_space<hbm>> -> memref<51200xf32, #tpu.memory_space<hbm>>
    tpu.wait_dma2 semaphore(%arg8 : memref<!tpu.dma_semaphore, #tpu.memory_space<semaphore_mem>>) src(%arg4 : memref<51200xf32, #tpu.memory_space<vmem>>) dst(%dma_wait3A_188 : memref<51200xf32, #tpu.memory_space<hbm>>)
    %add3A_189 = arith.constant 614400 : i32
    %add3A_190 = arith.addi %mul3A_2, %add3A_189 : i32
    %dma_start3A_191 = tpu.memref_slice %arg2[%add3A_190] : memref<40960000xf32, #tpu.memory_space<hbm>> -> memref<51200xf32, #tpu.memory_space<hbm>>
    %dma_start3A_192 = tpu.memref_slice %arg2[%add3A_190] : memref<40960000xf32, #tpu.memory_space<hbm>> -> memref<51200xf32, #tpu.memory_space<hbm>>
    tpu.enqueue_dma source(%dma_start3A_192 : memref<51200xf32, #tpu.memory_space<hbm>>) target(%arg4 : memref<51200xf32, #tpu.memory_space<vmem>>) target_semaphore(%arg6 : memref<!tpu.dma_semaphore, #tpu.memory_space<semaphore_mem>>)
    %add3A_193 = arith.constant 614400 : i32
    %add3A_194 = arith.addi %mul3A_2, %add3A_193 : i32
    %dma_wait3A_195 = tpu.memref_slice %arg2[%add3A_194] : memref<40960000xf32, #tpu.memory_space<hbm>> -> memref<51200xf32, #tpu.memory_space<hbm>>
    %dma_wait3A_196 = tpu.memref_slice %arg2[%add3A_194] : memref<40960000xf32, #tpu.memory_space<hbm>> -> memref<51200xf32, #tpu.memory_space<hbm>>
    tpu.wait_dma2 semaphore(%arg6 : memref<!tpu.dma_semaphore, #tpu.memory_space<semaphore_mem>>) src(%dma_wait3A_196 : memref<51200xf32, #tpu.memory_space<hbm>>) dst(%arg4 : memref<51200xf32, #tpu.memory_space<vmem>>)
    %add3A_197 = arith.constant 614400 : i32
    %add3A_198 = arith.addi %mul3A_2, %add3A_197 : i32
    %dma_start3A_199 = tpu.memref_slice %arg3[%add3A_198] : memref<40960000xf32, #tpu.memory_space<hbm>> -> memref<51200xf32, #tpu.memory_space<hbm>>
    %dma_start3A_200 = tpu.memref_slice %arg3[%add3A_198] : memref<40960000xf32, #tpu.memory_space<hbm>> -> memref<51200xf32, #tpu.memory_space<hbm>>
    tpu.enqueue_dma source(%arg4 : memref<51200xf32, #tpu.memory_space<vmem>>) target(%dma_start3A_200 : memref<51200xf32, #tpu.memory_space<hbm>>) target_semaphore(%arg8 : memref<!tpu.dma_semaphore, #tpu.memory_space<semaphore_mem>>)
    %add3A_201 = arith.constant 563200 : i32
    %add3A_202 = arith.addi %mul3A_2, %add3A_201 : i32
    %dma_wait3A_203 = tpu.memref_slice %arg3[%add3A_202] : memref<40960000xf32, #tpu.memory_space<hbm>> -> memref<51200xf32, #tpu.memory_space<hbm>>
    %dma_wait3A_204 = tpu.memref_slice %arg3[%add3A_202] : memref<40960000xf32, #tpu.memory_space<hbm>> -> memref<51200xf32, #tpu.memory_space<hbm>>
    tpu.wait_dma2 semaphore(%arg9 : memref<!tpu.dma_semaphore, #tpu.memory_space<semaphore_mem>>) src(%arg5 : memref<51200xf32, #tpu.memory_space<vmem>>) dst(%dma_wait3A_204 : memref<51200xf32, #tpu.memory_space<hbm>>)
    %add3A_205 = arith.constant 665600 : i32
    %add3A_206 = arith.addi %mul3A_2, %add3A_205 : i32
    %dma_start3A_207 = tpu.memref_slice %arg2[%add3A_206] : memref<40960000xf32, #tpu.memory_space<hbm>> -> memref<51200xf32, #tpu.memory_space<hbm>>
    %dma_start3A_208 = tpu.memref_slice %arg2[%add3A_206] : memref<40960000xf32, #tpu.memory_space<hbm>> -> memref<51200xf32, #tpu.memory_space<hbm>>
    tpu.enqueue_dma source(%dma_start3A_208 : memref<51200xf32, #tpu.memory_space<hbm>>) target(%arg5 : memref<51200xf32, #tpu.memory_space<vmem>>) target_semaphore(%arg7 : memref<!tpu.dma_semaphore, #tpu.memory_space<semaphore_mem>>)
    %add3A_209 = arith.constant 665600 : i32
    %add3A_210 = arith.addi %mul3A_2, %add3A_209 : i32
    %dma_wait3A_211 = tpu.memref_slice %arg2[%add3A_210] : memref<40960000xf32, #tpu.memory_space<hbm>> -> memref<51200xf32, #tpu.memory_space<hbm>>
    %dma_wait3A_212 = tpu.memref_slice %arg2[%add3A_210] : memref<40960000xf32, #tpu.memory_space<hbm>> -> memref<51200xf32, #tpu.memory_space<hbm>>
    tpu.wait_dma2 semaphore(%arg7 : memref<!tpu.dma_semaphore, #tpu.memory_space<semaphore_mem>>) src(%dma_wait3A_212 : memref<51200xf32, #tpu.memory_space<hbm>>) dst(%arg5 : memref<51200xf32, #tpu.memory_space<vmem>>)
    %add3A_213 = arith.constant 665600 : i32
    %add3A_214 = arith.addi %mul3A_2, %add3A_213 : i32
    %dma_start3A_215 = tpu.memref_slice %arg3[%add3A_214] : memref<40960000xf32, #tpu.memory_space<hbm>> -> memref<51200xf32, #tpu.memory_space<hbm>>
    %dma_start3A_216 = tpu.memref_slice %arg3[%add3A_214] : memref<40960000xf32, #tpu.memory_space<hbm>> -> memref<51200xf32, #tpu.memory_space<hbm>>
    tpu.enqueue_dma source(%arg5 : memref<51200xf32, #tpu.memory_space<vmem>>) target(%dma_start3A_216 : memref<51200xf32, #tpu.memory_space<hbm>>) target_semaphore(%arg9 : memref<!tpu.dma_semaphore, #tpu.memory_space<semaphore_mem>>)
    %add3A_217 = arith.constant 614400 : i32
    %add3A_218 = arith.addi %mul3A_2, %add3A_217 : i32
    %dma_wait3A_219 = tpu.memref_slice %arg3[%add3A_218] : memref<40960000xf32, #tpu.memory_space<hbm>> -> memref<51200xf32, #tpu.memory_space<hbm>>
    %dma_wait3A_220 = tpu.memref_slice %arg3[%add3A_218] : memref<40960000xf32, #tpu.memory_space<hbm>> -> memref<51200xf32, #tpu.memory_space<hbm>>
    tpu.wait_dma2 semaphore(%arg8 : memref<!tpu.dma_semaphore, #tpu.memory_space<semaphore_mem>>) src(%arg4 : memref<51200xf32, #tpu.memory_space<vmem>>) dst(%dma_wait3A_220 : memref<51200xf32, #tpu.memory_space<hbm>>)
    %add3A_221 = arith.constant 716800 : i32
    %add3A_222 = arith.addi %mul3A_2, %add3A_221 : i32
    %dma_start3A_223 = tpu.memref_slice %arg2[%add3A_222] : memref<40960000xf32, #tpu.memory_space<hbm>> -> memref<51200xf32, #tpu.memory_space<hbm>>
    %dma_start3A_224 = tpu.memref_slice %arg2[%add3A_222] : memref<40960000xf32, #tpu.memory_space<hbm>> -> memref<51200xf32, #tpu.memory_space<hbm>>
    tpu.enqueue_dma source(%dma_start3A_224 : memref<51200xf32, #tpu.memory_space<hbm>>) target(%arg4 : memref<51200xf32, #tpu.memory_space<vmem>>) target_semaphore(%arg6 : memref<!tpu.dma_semaphore, #tpu.memory_space<semaphore_mem>>)
    %add3A_225 = arith.constant 716800 : i32
    %add3A_226 = arith.addi %mul3A_2, %add3A_225 : i32
    %dma_wait3A_227 = tpu.memref_slice %arg2[%add3A_226] : memref<40960000xf32, #tpu.memory_space<hbm>> -> memref<51200xf32, #tpu.memory_space<hbm>>
    %dma_wait3A_228 = tpu.memref_slice %arg2[%add3A_226] : memref<40960000xf32, #tpu.memory_space<hbm>> -> memref<51200xf32, #tpu.memory_space<hbm>>
    tpu.wait_dma2 semaphore(%arg6 : memref<!tpu.dma_semaphore, #tpu.memory_space<semaphore_mem>>) src(%dma_wait3A_228 : memref<51200xf32, #tpu.memory_space<hbm>>) dst(%arg4 : memref<51200xf32, #tpu.memory_space<vmem>>)
    %add3A_229 = arith.constant 716800 : i32
    %add3A_230 = arith.addi %mul3A_2, %add3A_229 : i32
    %dma_start3A_231 = tpu.memref_slice %arg3[%add3A_230] : memref<40960000xf32, #tpu.memory_space<hbm>> -> memref<51200xf32, #tpu.memory_space<hbm>>
    %dma_start3A_232 = tpu.memref_slice %arg3[%add3A_230] : memref<40960000xf32, #tpu.memory_space<hbm>> -> memref<51200xf32, #tpu.memory_space<hbm>>
    tpu.enqueue_dma source(%arg4 : memref<51200xf32, #tpu.memory_space<vmem>>) target(%dma_start3A_232 : memref<51200xf32, #tpu.memory_space<hbm>>) target_semaphore(%arg8 : memref<!tpu.dma_semaphore, #tpu.memory_space<semaphore_mem>>)
    %add3A_233 = arith.constant 665600 : i32
    %add3A_234 = arith.addi %mul3A_2, %add3A_233 : i32
    %dma_wait3A_235 = tpu.memref_slice %arg3[%add3A_234] : memref<40960000xf32, #tpu.memory_space<hbm>> -> memref<51200xf32, #tpu.memory_space<hbm>>
    %dma_wait3A_236 = tpu.memref_slice %arg3[%add3A_234] : memref<40960000xf32, #tpu.memory_space<hbm>> -> memref<51200xf32, #tpu.memory_space<hbm>>
    tpu.wait_dma2 semaphore(%arg9 : memref<!tpu.dma_semaphore, #tpu.memory_space<semaphore_mem>>) src(%arg5 : memref<51200xf32, #tpu.memory_space<vmem>>) dst(%dma_wait3A_236 : memref<51200xf32, #tpu.memory_space<hbm>>)
    %add3A_237 = arith.constant 768000 : i32
    %add3A_238 = arith.addi %mul3A_2, %add3A_237 : i32
    %dma_start3A_239 = tpu.memref_slice %arg2[%add3A_238] : memref<40960000xf32, #tpu.memory_space<hbm>> -> memref<51200xf32, #tpu.memory_space<hbm>>
    %dma_start3A_240 = tpu.memref_slice %arg2[%add3A_238] : memref<40960000xf32, #tpu.memory_space<hbm>> -> memref<51200xf32, #tpu.memory_space<hbm>>
    tpu.enqueue_dma source(%dma_start3A_240 : memref<51200xf32, #tpu.memory_space<hbm>>) target(%arg5 : memref<51200xf32, #tpu.memory_space<vmem>>) target_semaphore(%arg7 : memref<!tpu.dma_semaphore, #tpu.memory_space<semaphore_mem>>)
    %add3A_241 = arith.constant 768000 : i32
    %add3A_242 = arith.addi %mul3A_2, %add3A_241 : i32
    %dma_wait3A_243 = tpu.memref_slice %arg2[%add3A_242] : memref<40960000xf32, #tpu.memory_space<hbm>> -> memref<51200xf32, #tpu.memory_space<hbm>>
    %dma_wait3A_244 = tpu.memref_slice %arg2[%add3A_242] : memref<40960000xf32, #tpu.memory_space<hbm>> -> memref<51200xf32, #tpu.memory_space<hbm>>
    tpu.wait_dma2 semaphore(%arg7 : memref<!tpu.dma_semaphore, #tpu.memory_space<semaphore_mem>>) src(%dma_wait3A_244 : memref<51200xf32, #tpu.memory_space<hbm>>) dst(%arg5 : memref<51200xf32, #tpu.memory_space<vmem>>)
    %add3A_245 = arith.constant 768000 : i32
    %add3A_246 = arith.addi %mul3A_2, %add3A_245 : i32
    %dma_start3A_247 = tpu.memref_slice %arg3[%add3A_246] : memref<40960000xf32, #tpu.memory_space<hbm>> -> memref<51200xf32, #tpu.memory_space<hbm>>
    %dma_start3A_248 = tpu.memref_slice %arg3[%add3A_246] : memref<40960000xf32, #tpu.memory_space<hbm>> -> memref<51200xf32, #tpu.memory_space<hbm>>
    tpu.enqueue_dma source(%arg5 : memref<51200xf32, #tpu.memory_space<vmem>>) target(%dma_start3A_248 : memref<51200xf32, #tpu.memory_space<hbm>>) target_semaphore(%arg9 : memref<!tpu.dma_semaphore, #tpu.memory_space<semaphore_mem>>)
    %add3A_249 = arith.constant 716800 : i32
    %add3A_250 = arith.addi %mul3A_2, %add3A_249 : i32
    %dma_wait3A_251 = tpu.memref_slice %arg3[%add3A_250] : memref<40960000xf32, #tpu.memory_space<hbm>> -> memref<51200xf32, #tpu.memory_space<hbm>>
    %dma_wait3A_252 = tpu.memref_slice %arg3[%add3A_250] : memref<40960000xf32, #tpu.memory_space<hbm>> -> memref<51200xf32, #tpu.memory_space<hbm>>
    tpu.wait_dma2 semaphore(%arg8 : memref<!tpu.dma_semaphore, #tpu.memory_space<semaphore_mem>>) src(%arg4 : memref<51200xf32, #tpu.memory_space<vmem>>) dst(%dma_wait3A_252 : memref<51200xf32, #tpu.memory_space<hbm>>)
    %add3A_253 = arith.constant 819200 : i32
    %add3A_254 = arith.addi %mul3A_2, %add3A_253 : i32
    %dma_start3A_255 = tpu.memref_slice %arg2[%add3A_254] : memref<40960000xf32, #tpu.memory_space<hbm>> -> memref<51200xf32, #tpu.memory_space<hbm>>
    %dma_start3A_256 = tpu.memref_slice %arg2[%add3A_254] : memref<40960000xf32, #tpu.memory_space<hbm>> -> memref<51200xf32, #tpu.memory_space<hbm>>
    tpu.enqueue_dma source(%dma_start3A_256 : memref<51200xf32, #tpu.memory_space<hbm>>) target(%arg4 : memref<51200xf32, #tpu.memory_space<vmem>>) target_semaphore(%arg6 : memref<!tpu.dma_semaphore, #tpu.memory_space<semaphore_mem>>)
    %add3A_257 = arith.constant 819200 : i32
    %add3A_258 = arith.addi %mul3A_2, %add3A_257 : i32
    %dma_wait3A_259 = tpu.memref_slice %arg2[%add3A_258] : memref<40960000xf32, #tpu.memory_space<hbm>> -> memref<51200xf32, #tpu.memory_space<hbm>>
    %dma_wait3A_260 = tpu.memref_slice %arg2[%add3A_258] : memref<40960000xf32, #tpu.memory_space<hbm>> -> memref<51200xf32, #tpu.memory_space<hbm>>
    tpu.wait_dma2 semaphore(%arg6 : memref<!tpu.dma_semaphore, #tpu.memory_space<semaphore_mem>>) src(%dma_wait3A_260 : memref<51200xf32, #tpu.memory_space<hbm>>) dst(%arg4 : memref<51200xf32, #tpu.memory_space<vmem>>)
    %add3A_261 = arith.constant 819200 : i32
    %add3A_262 = arith.addi %mul3A_2, %add3A_261 : i32
    %dma_start3A_263 = tpu.memref_slice %arg3[%add3A_262] : memref<40960000xf32, #tpu.memory_space<hbm>> -> memref<51200xf32, #tpu.memory_space<hbm>>
    %dma_start3A_264 = tpu.memref_slice %arg3[%add3A_262] : memref<40960000xf32, #tpu.memory_space<hbm>> -> memref<51200xf32, #tpu.memory_space<hbm>>
    tpu.enqueue_dma source(%arg4 : memref<51200xf32, #tpu.memory_space<vmem>>) target(%dma_start3A_264 : memref<51200xf32, #tpu.memory_space<hbm>>) target_semaphore(%arg8 : memref<!tpu.dma_semaphore, #tpu.memory_space<semaphore_mem>>)
    %add3A_265 = arith.constant 768000 : i32
    %add3A_266 = arith.addi %mul3A_2, %add3A_265 : i32
    %dma_wait3A_267 = tpu.memref_slice %arg3[%add3A_266] : memref<40960000xf32, #tpu.memory_space<hbm>> -> memref<51200xf32, #tpu.memory_space<hbm>>
    %dma_wait3A_268 = tpu.memref_slice %arg3[%add3A_266] : memref<40960000xf32, #tpu.memory_space<hbm>> -> memref<51200xf32, #tpu.memory_space<hbm>>
    tpu.wait_dma2 semaphore(%arg9 : memref<!tpu.dma_semaphore, #tpu.memory_space<semaphore_mem>>) src(%arg5 : memref<51200xf32, #tpu.memory_space<vmem>>) dst(%dma_wait3A_268 : memref<51200xf32, #tpu.memory_space<hbm>>)
    %add3A_269 = arith.constant 870400 : i32
    %add3A_270 = arith.addi %mul3A_2, %add3A_269 : i32
    %dma_start3A_271 = tpu.memref_slice %arg2[%add3A_270] : memref<40960000xf32, #tpu.memory_space<hbm>> -> memref<51200xf32, #tpu.memory_space<hbm>>
    %dma_start3A_272 = tpu.memref_slice %arg2[%add3A_270] : memref<40960000xf32, #tpu.memory_space<hbm>> -> memref<51200xf32, #tpu.memory_space<hbm>>
    tpu.enqueue_dma source(%dma_start3A_272 : memref<51200xf32, #tpu.memory_space<hbm>>) target(%arg5 : memref<51200xf32, #tpu.memory_space<vmem>>) target_semaphore(%arg7 : memref<!tpu.dma_semaphore, #tpu.memory_space<semaphore_mem>>)
    %add3A_273 = arith.constant 870400 : i32
    %add3A_274 = arith.addi %mul3A_2, %add3A_273 : i32
    %dma_wait3A_275 = tpu.memref_slice %arg2[%add3A_274] : memref<40960000xf32, #tpu.memory_space<hbm>> -> memref<51200xf32, #tpu.memory_space<hbm>>
    %dma_wait3A_276 = tpu.memref_slice %arg2[%add3A_274] : memref<40960000xf32, #tpu.memory_space<hbm>> -> memref<51200xf32, #tpu.memory_space<hbm>>
    tpu.wait_dma2 semaphore(%arg7 : memref<!tpu.dma_semaphore, #tpu.memory_space<semaphore_mem>>) src(%dma_wait3A_276 : memref<51200xf32, #tpu.memory_space<hbm>>) dst(%arg5 : memref<51200xf32, #tpu.memory_space<vmem>>)
    %add3A_277 = arith.constant 870400 : i32
    %add3A_278 = arith.addi %mul3A_2, %add3A_277 : i32
    %dma_start3A_279 = tpu.memref_slice %arg3[%add3A_278] : memref<40960000xf32, #tpu.memory_space<hbm>> -> memref<51200xf32, #tpu.memory_space<hbm>>
    %dma_start3A_280 = tpu.memref_slice %arg3[%add3A_278] : memref<40960000xf32, #tpu.memory_space<hbm>> -> memref<51200xf32, #tpu.memory_space<hbm>>
    tpu.enqueue_dma source(%arg5 : memref<51200xf32, #tpu.memory_space<vmem>>) target(%dma_start3A_280 : memref<51200xf32, #tpu.memory_space<hbm>>) target_semaphore(%arg9 : memref<!tpu.dma_semaphore, #tpu.memory_space<semaphore_mem>>)
    %add3A_281 = arith.constant 819200 : i32
    %add3A_282 = arith.addi %mul3A_2, %add3A_281 : i32
    %dma_wait3A_283 = tpu.memref_slice %arg3[%add3A_282] : memref<40960000xf32, #tpu.memory_space<hbm>> -> memref<51200xf32, #tpu.memory_space<hbm>>
    %dma_wait3A_284 = tpu.memref_slice %arg3[%add3A_282] : memref<40960000xf32, #tpu.memory_space<hbm>> -> memref<51200xf32, #tpu.memory_space<hbm>>
    tpu.wait_dma2 semaphore(%arg8 : memref<!tpu.dma_semaphore, #tpu.memory_space<semaphore_mem>>) src(%arg4 : memref<51200xf32, #tpu.memory_space<vmem>>) dst(%dma_wait3A_284 : memref<51200xf32, #tpu.memory_space<hbm>>)
    %add3A_285 = arith.constant 921600 : i32
    %add3A_286 = arith.addi %mul3A_2, %add3A_285 : i32
    %dma_start3A_287 = tpu.memref_slice %arg2[%add3A_286] : memref<40960000xf32, #tpu.memory_space<hbm>> -> memref<51200xf32, #tpu.memory_space<hbm>>
    %dma_start3A_288 = tpu.memref_slice %arg2[%add3A_286] : memref<40960000xf32, #tpu.memory_space<hbm>> -> memref<51200xf32, #tpu.memory_space<hbm>>
    tpu.enqueue_dma source(%dma_start3A_288 : memref<51200xf32, #tpu.memory_space<hbm>>) target(%arg4 : memref<51200xf32, #tpu.memory_space<vmem>>) target_semaphore(%arg6 : memref<!tpu.dma_semaphore, #tpu.memory_space<semaphore_mem>>)
    %add3A_289 = arith.constant 921600 : i32
    %add3A_290 = arith.addi %mul3A_2, %add3A_289 : i32
    %dma_wait3A_291 = tpu.memref_slice %arg2[%add3A_290] : memref<40960000xf32, #tpu.memory_space<hbm>> -> memref<51200xf32, #tpu.memory_space<hbm>>
    %dma_wait3A_292 = tpu.memref_slice %arg2[%add3A_290] : memref<40960000xf32, #tpu.memory_space<hbm>> -> memref<51200xf32, #tpu.memory_space<hbm>>
    tpu.wait_dma2 semaphore(%arg6 : memref<!tpu.dma_semaphore, #tpu.memory_space<semaphore_mem>>) src(%dma_wait3A_292 : memref<51200xf32, #tpu.memory_space<hbm>>) dst(%arg4 : memref<51200xf32, #tpu.memory_space<vmem>>)
    %add3A_293 = arith.constant 921600 : i32
    %add3A_294 = arith.addi %mul3A_2, %add3A_293 : i32
    %dma_start3A_295 = tpu.memref_slice %arg3[%add3A_294] : memref<40960000xf32, #tpu.memory_space<hbm>> -> memref<51200xf32, #tpu.memory_space<hbm>>
    %dma_start3A_296 = tpu.memref_slice %arg3[%add3A_294] : memref<40960000xf32, #tpu.memory_space<hbm>> -> memref<51200xf32, #tpu.memory_space<hbm>>
    tpu.enqueue_dma source(%arg4 : memref<51200xf32, #tpu.memory_space<vmem>>) target(%dma_start3A_296 : memref<51200xf32, #tpu.memory_space<hbm>>) target_semaphore(%arg8 : memref<!tpu.dma_semaphore, #tpu.memory_space<semaphore_mem>>)
    %add3A_297 = arith.constant 870400 : i32
    %add3A_298 = arith.addi %mul3A_2, %add3A_297 : i32
    %dma_wait3A_299 = tpu.memref_slice %arg3[%add3A_298] : memref<40960000xf32, #tpu.memory_space<hbm>> -> memref<51200xf32, #tpu.memory_space<hbm>>
    %dma_wait3A_300 = tpu.memref_slice %arg3[%add3A_298] : memref<40960000xf32, #tpu.memory_space<hbm>> -> memref<51200xf32, #tpu.memory_space<hbm>>
    tpu.wait_dma2 semaphore(%arg9 : memref<!tpu.dma_semaphore, #tpu.memory_space<semaphore_mem>>) src(%arg5 : memref<51200xf32, #tpu.memory_space<vmem>>) dst(%dma_wait3A_300 : memref<51200xf32, #tpu.memory_space<hbm>>)
    %add3A_301 = arith.constant 972800 : i32
    %add3A_302 = arith.addi %mul3A_2, %add3A_301 : i32
    %dma_start3A_303 = tpu.memref_slice %arg2[%add3A_302] : memref<40960000xf32, #tpu.memory_space<hbm>> -> memref<51200xf32, #tpu.memory_space<hbm>>
    %dma_start3A_304 = tpu.memref_slice %arg2[%add3A_302] : memref<40960000xf32, #tpu.memory_space<hbm>> -> memref<51200xf32, #tpu.memory_space<hbm>>
    tpu.enqueue_dma source(%dma_start3A_304 : memref<51200xf32, #tpu.memory_space<hbm>>) target(%arg5 : memref<51200xf32, #tpu.memory_space<vmem>>) target_semaphore(%arg7 : memref<!tpu.dma_semaphore, #tpu.memory_space<semaphore_mem>>)
    %add3A_305 = arith.constant 972800 : i32
    %add3A_306 = arith.addi %mul3A_2, %add3A_305 : i32
    %dma_wait3A_307 = tpu.memref_slice %arg2[%add3A_306] : memref<40960000xf32, #tpu.memory_space<hbm>> -> memref<51200xf32, #tpu.memory_space<hbm>>
    %dma_wait3A_308 = tpu.memref_slice %arg2[%add3A_306] : memref<40960000xf32, #tpu.memory_space<hbm>> -> memref<51200xf32, #tpu.memory_space<hbm>>
    tpu.wait_dma2 semaphore(%arg7 : memref<!tpu.dma_semaphore, #tpu.memory_space<semaphore_mem>>) src(%dma_wait3A_308 : memref<51200xf32, #tpu.memory_space<hbm>>) dst(%arg5 : memref<51200xf32, #tpu.memory_space<vmem>>)
    %add3A_309 = arith.constant 972800 : i32
    %add3A_310 = arith.addi %mul3A_2, %add3A_309 : i32
    %dma_start3A_311 = tpu.memref_slice %arg3[%add3A_310] : memref<40960000xf32, #tpu.memory_space<hbm>> -> memref<51200xf32, #tpu.memory_space<hbm>>
    %dma_start3A_312 = tpu.memref_slice %arg3[%add3A_310] : memref<40960000xf32, #tpu.memory_space<hbm>> -> memref<51200xf32, #tpu.memory_space<hbm>>
    tpu.enqueue_dma source(%arg5 : memref<51200xf32, #tpu.memory_space<vmem>>) target(%dma_start3A_312 : memref<51200xf32, #tpu.memory_space<hbm>>) target_semaphore(%arg9 : memref<!tpu.dma_semaphore, #tpu.memory_space<semaphore_mem>>)
    %add3A_313 = arith.constant 921600 : i32
    %add3A_314 = arith.addi %mul3A_2, %add3A_313 : i32
    %dma_wait3A_315 = tpu.memref_slice %arg3[%add3A_314] : memref<40960000xf32, #tpu.memory_space<hbm>> -> memref<51200xf32, #tpu.memory_space<hbm>>
    %dma_wait3A_316 = tpu.memref_slice %arg3[%add3A_314] : memref<40960000xf32, #tpu.memory_space<hbm>> -> memref<51200xf32, #tpu.memory_space<hbm>>
    tpu.wait_dma2 semaphore(%arg8 : memref<!tpu.dma_semaphore, #tpu.memory_space<semaphore_mem>>) src(%arg4 : memref<51200xf32, #tpu.memory_space<vmem>>) dst(%dma_wait3A_316 : memref<51200xf32, #tpu.memory_space<hbm>>)
    %add3A_317 = arith.constant 1024000 : i32
    %add3A_318 = arith.addi %mul3A_2, %add3A_317 : i32
    %dma_start3A_319 = tpu.memref_slice %arg2[%add3A_318] : memref<40960000xf32, #tpu.memory_space<hbm>> -> memref<51200xf32, #tpu.memory_space<hbm>>
    %dma_start3A_320 = tpu.memref_slice %arg2[%add3A_318] : memref<40960000xf32, #tpu.memory_space<hbm>> -> memref<51200xf32, #tpu.memory_space<hbm>>
    tpu.enqueue_dma source(%dma_start3A_320 : memref<51200xf32, #tpu.memory_space<hbm>>) target(%arg4 : memref<51200xf32, #tpu.memory_space<vmem>>) target_semaphore(%arg6 : memref<!tpu.dma_semaphore, #tpu.memory_space<semaphore_mem>>)
    %add3A_321 = arith.constant 1024000 : i32
    %add3A_322 = arith.addi %mul3A_2, %add3A_321 : i32
    %dma_wait3A_323 = tpu.memref_slice %arg2[%add3A_322] : memref<40960000xf32, #tpu.memory_space<hbm>> -> memref<51200xf32, #tpu.memory_space<hbm>>
    %dma_wait3A_324 = tpu.memref_slice %arg2[%add3A_322] : memref<40960000xf32, #tpu.memory_space<hbm>> -> memref<51200xf32, #tpu.memory_space<hbm>>
    tpu.wait_dma2 semaphore(%arg6 : memref<!tpu.dma_semaphore, #tpu.memory_space<semaphore_mem>>) src(%dma_wait3A_324 : memref<51200xf32, #tpu.memory_space<hbm>>) dst(%arg4 : memref<51200xf32, #tpu.memory_space<vmem>>)
    %add3A_325 = arith.constant 1024000 : i32
    %add3A_326 = arith.addi %mul3A_2, %add3A_325 : i32
    %dma_start3A_327 = tpu.memref_slice %arg3[%add3A_326] : memref<40960000xf32, #tpu.memory_space<hbm>> -> memref<51200xf32, #tpu.memory_space<hbm>>
    %dma_start3A_328 = tpu.memref_slice %arg3[%add3A_326] : memref<40960000xf32, #tpu.memory_space<hbm>> -> memref<51200xf32, #tpu.memory_space<hbm>>
    tpu.enqueue_dma source(%arg4 : memref<51200xf32, #tpu.memory_space<vmem>>) target(%dma_start3A_328 : memref<51200xf32, #tpu.memory_space<hbm>>) target_semaphore(%arg8 : memref<!tpu.dma_semaphore, #tpu.memory_space<semaphore_mem>>)
    %add3A_329 = arith.constant 972800 : i32
    %add3A_330 = arith.addi %mul3A_2, %add3A_329 : i32
    %dma_wait3A_331 = tpu.memref_slice %arg3[%add3A_330] : memref<40960000xf32, #tpu.memory_space<hbm>> -> memref<51200xf32, #tpu.memory_space<hbm>>
    %dma_wait3A_332 = tpu.memref_slice %arg3[%add3A_330] : memref<40960000xf32, #tpu.memory_space<hbm>> -> memref<51200xf32, #tpu.memory_space<hbm>>
    tpu.wait_dma2 semaphore(%arg9 : memref<!tpu.dma_semaphore, #tpu.memory_space<semaphore_mem>>) src(%arg5 : memref<51200xf32, #tpu.memory_space<vmem>>) dst(%dma_wait3A_332 : memref<51200xf32, #tpu.memory_space<hbm>>)
    %add3A_333 = arith.constant 1075200 : i32
    %add3A_334 = arith.addi %mul3A_2, %add3A_333 : i32
    %dma_start3A_335 = tpu.memref_slice %arg2[%add3A_334] : memref<40960000xf32, #tpu.memory_space<hbm>> -> memref<51200xf32, #tpu.memory_space<hbm>>
    %dma_start3A_336 = tpu.memref_slice %arg2[%add3A_334] : memref<40960000xf32, #tpu.memory_space<hbm>> -> memref<51200xf32, #tpu.memory_space<hbm>>
    tpu.enqueue_dma source(%dma_start3A_336 : memref<51200xf32, #tpu.memory_space<hbm>>) target(%arg5 : memref<51200xf32, #tpu.memory_space<vmem>>) target_semaphore(%arg7 : memref<!tpu.dma_semaphore, #tpu.memory_space<semaphore_mem>>)
    %add3A_337 = arith.constant 1075200 : i32
    %add3A_338 = arith.addi %mul3A_2, %add3A_337 : i32
    %dma_wait3A_339 = tpu.memref_slice %arg2[%add3A_338] : memref<40960000xf32, #tpu.memory_space<hbm>> -> memref<51200xf32, #tpu.memory_space<hbm>>
    %dma_wait3A_340 = tpu.memref_slice %arg2[%add3A_338] : memref<40960000xf32, #tpu.memory_space<hbm>> -> memref<51200xf32, #tpu.memory_space<hbm>>
    tpu.wait_dma2 semaphore(%arg7 : memref<!tpu.dma_semaphore, #tpu.memory_space<semaphore_mem>>) src(%dma_wait3A_340 : memref<51200xf32, #tpu.memory_space<hbm>>) dst(%arg5 : memref<51200xf32, #tpu.memory_space<vmem>>)
    %add3A_341 = arith.constant 1075200 : i32
    %add3A_342 = arith.addi %mul3A_2, %add3A_341 : i32
    %dma_start3A_343 = tpu.memref_slice %arg3[%add3A_342] : memref<40960000xf32, #tpu.memory_space<hbm>> -> memref<51200xf32, #tpu.memory_space<hbm>>
    %dma_start3A_344 = tpu.memref_slice %arg3[%add3A_342] : memref<40960000xf32, #tpu.memory_space<hbm>> -> memref<51200xf32, #tpu.memory_space<hbm>>
    tpu.enqueue_dma source(%arg5 : memref<51200xf32, #tpu.memory_space<vmem>>) target(%dma_start3A_344 : memref<51200xf32, #tpu.memory_space<hbm>>) target_semaphore(%arg9 : memref<!tpu.dma_semaphore, #tpu.memory_space<semaphore_mem>>)
    %add3A_345 = arith.constant 1024000 : i32
    %add3A_346 = arith.addi %mul3A_2, %add3A_345 : i32
    %dma_wait3A_347 = tpu.memref_slice %arg3[%add3A_346] : memref<40960000xf32, #tpu.memory_space<hbm>> -> memref<51200xf32, #tpu.memory_space<hbm>>
    %dma_wait3A_348 = tpu.memref_slice %arg3[%add3A_346] : memref<40960000xf32, #tpu.memory_space<hbm>> -> memref<51200xf32, #tpu.memory_space<hbm>>
    tpu.wait_dma2 semaphore(%arg8 : memref<!tpu.dma_semaphore, #tpu.memory_space<semaphore_mem>>) src(%arg4 : memref<51200xf32, #tpu.memory_space<vmem>>) dst(%dma_wait3A_348 : memref<51200xf32, #tpu.memory_space<hbm>>)
    %add3A_349 = arith.constant 1126400 : i32
    %add3A_350 = arith.addi %mul3A_2, %add3A_349 : i32
    %dma_start3A_351 = tpu.memref_slice %arg2[%add3A_350] : memref<40960000xf32, #tpu.memory_space<hbm>> -> memref<51200xf32, #tpu.memory_space<hbm>>
    %dma_start3A_352 = tpu.memref_slice %arg2[%add3A_350] : memref<40960000xf32, #tpu.memory_space<hbm>> -> memref<51200xf32, #tpu.memory_space<hbm>>
    tpu.enqueue_dma source(%dma_start3A_352 : memref<51200xf32, #tpu.memory_space<hbm>>) target(%arg4 : memref<51200xf32, #tpu.memory_space<vmem>>) target_semaphore(%arg6 : memref<!tpu.dma_semaphore, #tpu.memory_space<semaphore_mem>>)
    %add3A_353 = arith.constant 1126400 : i32
    %add3A_354 = arith.addi %mul3A_2, %add3A_353 : i32
    %dma_wait3A_355 = tpu.memref_slice %arg2[%add3A_354] : memref<40960000xf32, #tpu.memory_space<hbm>> -> memref<51200xf32, #tpu.memory_space<hbm>>
    %dma_wait3A_356 = tpu.memref_slice %arg2[%add3A_354] : memref<40960000xf32, #tpu.memory_space<hbm>> -> memref<51200xf32, #tpu.memory_space<hbm>>
    tpu.wait_dma2 semaphore(%arg6 : memref<!tpu.dma_semaphore, #tpu.memory_space<semaphore_mem>>) src(%dma_wait3A_356 : memref<51200xf32, #tpu.memory_space<hbm>>) dst(%arg4 : memref<51200xf32, #tpu.memory_space<vmem>>)
    %add3A_357 = arith.constant 1126400 : i32
    %add3A_358 = arith.addi %mul3A_2, %add3A_357 : i32
    %dma_start3A_359 = tpu.memref_slice %arg3[%add3A_358] : memref<40960000xf32, #tpu.memory_space<hbm>> -> memref<51200xf32, #tpu.memory_space<hbm>>
    %dma_start3A_360 = tpu.memref_slice %arg3[%add3A_358] : memref<40960000xf32, #tpu.memory_space<hbm>> -> memref<51200xf32, #tpu.memory_space<hbm>>
    tpu.enqueue_dma source(%arg4 : memref<51200xf32, #tpu.memory_space<vmem>>) target(%dma_start3A_360 : memref<51200xf32, #tpu.memory_space<hbm>>) target_semaphore(%arg8 : memref<!tpu.dma_semaphore, #tpu.memory_space<semaphore_mem>>)
    %add3A_361 = arith.constant 1075200 : i32
    %add3A_362 = arith.addi %mul3A_2, %add3A_361 : i32
    %dma_wait3A_363 = tpu.memref_slice %arg3[%add3A_362] : memref<40960000xf32, #tpu.memory_space<hbm>> -> memref<51200xf32, #tpu.memory_space<hbm>>
    %dma_wait3A_364 = tpu.memref_slice %arg3[%add3A_362] : memref<40960000xf32, #tpu.memory_space<hbm>> -> memref<51200xf32, #tpu.memory_space<hbm>>
    tpu.wait_dma2 semaphore(%arg9 : memref<!tpu.dma_semaphore, #tpu.memory_space<semaphore_mem>>) src(%arg5 : memref<51200xf32, #tpu.memory_space<vmem>>) dst(%dma_wait3A_364 : memref<51200xf32, #tpu.memory_space<hbm>>)
    %add3A_365 = arith.constant 1177600 : i32
    %add3A_366 = arith.addi %mul3A_2, %add3A_365 : i32
    %dma_start3A_367 = tpu.memref_slice %arg2[%add3A_366] : memref<40960000xf32, #tpu.memory_space<hbm>> -> memref<51200xf32, #tpu.memory_space<hbm>>
    %dma_start3A_368 = tpu.memref_slice %arg2[%add3A_366] : memref<40960000xf32, #tpu.memory_space<hbm>> -> memref<51200xf32, #tpu.memory_space<hbm>>
    tpu.enqueue_dma source(%dma_start3A_368 : memref<51200xf32, #tpu.memory_space<hbm>>) target(%arg5 : memref<51200xf32, #tpu.memory_space<vmem>>) target_semaphore(%arg7 : memref<!tpu.dma_semaphore, #tpu.memory_space<semaphore_mem>>)
    %add3A_369 = arith.constant 1177600 : i32
    %add3A_370 = arith.addi %mul3A_2, %add3A_369 : i32
    %dma_wait3A_371 = tpu.memref_slice %arg2[%add3A_370] : memref<40960000xf32, #tpu.memory_space<hbm>> -> memref<51200xf32, #tpu.memory_space<hbm>>
    %dma_wait3A_372 = tpu.memref_slice %arg2[%add3A_370] : memref<40960000xf32, #tpu.memory_space<hbm>> -> memref<51200xf32, #tpu.memory_space<hbm>>
    tpu.wait_dma2 semaphore(%arg7 : memref<!tpu.dma_semaphore, #tpu.memory_space<semaphore_mem>>) src(%dma_wait3A_372 : memref<51200xf32, #tpu.memory_space<hbm>>) dst(%arg5 : memref<51200xf32, #tpu.memory_space<vmem>>)
    %add3A_373 = arith.constant 1177600 : i32
    %add3A_374 = arith.addi %mul3A_2, %add3A_373 : i32
    %dma_start3A_375 = tpu.memref_slice %arg3[%add3A_374] : memref<40960000xf32, #tpu.memory_space<hbm>> -> memref<51200xf32, #tpu.memory_space<hbm>>
    %dma_start3A_376 = tpu.memref_slice %arg3[%add3A_374] : memref<40960000xf32, #tpu.memory_space<hbm>> -> memref<51200xf32, #tpu.memory_space<hbm>>
    tpu.enqueue_dma source(%arg5 : memref<51200xf32, #tpu.memory_space<vmem>>) target(%dma_start3A_376 : memref<51200xf32, #tpu.memory_space<hbm>>) target_semaphore(%arg9 : memref<!tpu.dma_semaphore, #tpu.memory_space<semaphore_mem>>)
    %add3A_377 = arith.constant 1126400 : i32
    %add3A_378 = arith.addi %mul3A_2, %add3A_377 : i32
    %dma_wait3A_379 = tpu.memref_slice %arg3[%add3A_378] : memref<40960000xf32, #tpu.memory_space<hbm>> -> memref<51200xf32, #tpu.memory_space<hbm>>
    %dma_wait3A_380 = tpu.memref_slice %arg3[%add3A_378] : memref<40960000xf32, #tpu.memory_space<hbm>> -> memref<51200xf32, #tpu.memory_space<hbm>>
    tpu.wait_dma2 semaphore(%arg8 : memref<!tpu.dma_semaphore, #tpu.memory_space<semaphore_mem>>) src(%arg4 : memref<51200xf32, #tpu.memory_space<vmem>>) dst(%dma_wait3A_380 : memref<51200xf32, #tpu.memory_space<hbm>>)
    %add3A_381 = arith.constant 1228800 : i32
    %add3A_382 = arith.addi %mul3A_2, %add3A_381 : i32
    %dma_start3A_383 = tpu.memref_slice %arg2[%add3A_382] : memref<40960000xf32, #tpu.memory_space<hbm>> -> memref<51200xf32, #tpu.memory_space<hbm>>
    %dma_start3A_384 = tpu.memref_slice %arg2[%add3A_382] : memref<40960000xf32, #tpu.memory_space<hbm>> -> memref<51200xf32, #tpu.memory_space<hbm>>
    tpu.enqueue_dma source(%dma_start3A_384 : memref<51200xf32, #tpu.memory_space<hbm>>) target(%arg4 : memref<51200xf32, #tpu.memory_space<vmem>>) target_semaphore(%arg6 : memref<!tpu.dma_semaphore, #tpu.memory_space<semaphore_mem>>)
    %add3A_385 = arith.constant 1228800 : i32
    %add3A_386 = arith.addi %mul3A_2, %add3A_385 : i32
    %dma_wait3A_387 = tpu.memref_slice %arg2[%add3A_386] : memref<40960000xf32, #tpu.memory_space<hbm>> -> memref<51200xf32, #tpu.memory_space<hbm>>
    %dma_wait3A_388 = tpu.memref_slice %arg2[%add3A_386] : memref<40960000xf32, #tpu.memory_space<hbm>> -> memref<51200xf32, #tpu.memory_space<hbm>>
    tpu.wait_dma2 semaphore(%arg6 : memref<!tpu.dma_semaphore, #tpu.memory_space<semaphore_mem>>) src(%dma_wait3A_388 : memref<51200xf32, #tpu.memory_space<hbm>>) dst(%arg4 : memref<51200xf32, #tpu.memory_space<vmem>>)
    %add3A_389 = arith.constant 1228800 : i32
    %add3A_390 = arith.addi %mul3A_2, %add3A_389 : i32
    %dma_start3A_391 = tpu.memref_slice %arg3[%add3A_390] : memref<40960000xf32, #tpu.memory_space<hbm>> -> memref<51200xf32, #tpu.memory_space<hbm>>
    %dma_start3A_392 = tpu.memref_slice %arg3[%add3A_390] : memref<40960000xf32, #tpu.memory_space<hbm>> -> memref<51200xf32, #tpu.memory_space<hbm>>
    tpu.enqueue_dma source(%arg4 : memref<51200xf32, #tpu.memory_space<vmem>>) target(%dma_start3A_392 : memref<51200xf32, #tpu.memory_space<hbm>>) target_semaphore(%arg8 : memref<!tpu.dma_semaphore, #tpu.memory_space<semaphore_mem>>)
    %add3A_393 = arith.constant 1177600 : i32
    %add3A_394 = arith.addi %mul3A_2, %add3A_393 : i32
    %dma_wait3A_395 = tpu.memref_slice %arg3[%add3A_394] : memref<40960000xf32, #tpu.memory_space<hbm>> -> memref<51200xf32, #tpu.memory_space<hbm>>
    %dma_wait3A_396 = tpu.memref_slice %arg3[%add3A_394] : memref<40960000xf32, #tpu.memory_space<hbm>> -> memref<51200xf32, #tpu.memory_space<hbm>>
    tpu.wait_dma2 semaphore(%arg9 : memref<!tpu.dma_semaphore, #tpu.memory_space<semaphore_mem>>) src(%arg5 : memref<51200xf32, #tpu.memory_space<vmem>>) dst(%dma_wait3A_396 : memref<51200xf32, #tpu.memory_space<hbm>>)
    %add3A_397 = arith.constant 1228800 : i32
    %add3A_398 = arith.addi %mul3A_2, %add3A_397 : i32
    %dma_wait3A_399 = tpu.memref_slice %arg3[%add3A_398] : memref<40960000xf32, #tpu.memory_space<hbm>> -> memref<51200xf32, #tpu.memory_space<hbm>>
    %dma_wait3A_400 = tpu.memref_slice %arg3[%add3A_398] : memref<40960000xf32, #tpu.memory_space<hbm>> -> memref<51200xf32, #tpu.memory_space<hbm>>
    tpu.wait_dma2 semaphore(%arg8 : memref<!tpu.dma_semaphore, #tpu.memory_space<semaphore_mem>>) src(%arg4 : memref<51200xf32, #tpu.memory_space<vmem>>) dst(%dma_wait3A_400 : memref<51200xf32, #tpu.memory_space<hbm>>)
    return
  }
}

module attributes {stable_mosaic.version = 14 : i64} {
  func.func @_topk_body(%arg0: i32, %arg1: memref<800x401xf32, #tpu.memory_space<vmem>>, %arg2: memref<800x16xf32, #tpu.memory_space<vmem>>, %arg3: memref<800x16xi32, #tpu.memory_space<vmem>>) attributes {dimension_semantics = [#tpu.dimension_semantics<arbitrary>], iteration_bounds = array<i64: 25>, scalar_prefetch = 0 : i64, scratch_operands = 0 : i64, tpu.core_type = #tpu.core_type<tc>, window_params = [{transform_indices = @transform_0, window_bounds = array<i64: 800, 401>}, {transform_indices = @transform_1, window_bounds = array<i64: 800, 16>}, {transform_indices = @transform_2, window_bounds = array<i64: 800, 16>}]} {
    %get3A = arith.constant 0 : index
    %get3A_0 = arith.constant 0 : index
    %get3A_1 = vector.load %arg1[%get3A, %get3A_0] : memref<800x401xf32, #tpu.memory_space<vmem>>, vector<800x401xf32>
    %reduce_max3A = arith.constant dense<0xFF800000> : vector<800xf32>
    %reduce_max3A_2 = vector.multi_reduction <maximumf>, %get3A_1, %reduce_max3A [1] : vector<800x401xf32> to vector<800xf32>
    %broadcast_in_dim3A = vector.shape_cast %reduce_max3A_2 : vector<800xf32> to vector<800x1xf32>
    %sub3A = vector.broadcast %broadcast_in_dim3A : vector<800x1xf32> to vector<800x401xf32>
    %sub3A_3 = arith.subf %get3A_1, %sub3A : vector<800x401xf32>
    %exp3A = math.exp %sub3A_3 : vector<800x401xf32>
    %reduce_sum3A = arith.constant dense<0.000000e+00> : vector<800xf32>
    %reduce_sum3A_4 = vector.multi_reduction <add>, %exp3A, %reduce_sum3A [1] : vector<800x401xf32> to vector<800xf32>
    %broadcast_in_dim3A_5 = vector.shape_cast %reduce_sum3A_4 : vector<800xf32> to vector<800x1xf32>
    %div3A = arith.constant 1.000000e+00 : f32
    %div3A_6 = vector.broadcast %div3A : f32 to vector<800x1xf32>
    %div3A_7 = arith.divf %div3A_6, %broadcast_in_dim3A_5 : vector<800x1xf32>
    %mul3A = vector.broadcast %div3A_7 : vector<800x1xf32> to vector<800x401xf32>
    %mul3A_8 = arith.mulf %exp3A, %mul3A : vector<800x401xf32>
    %iota3A = tpu.iota {dimensions = array<i32: 1>} : vector<800x401xi32>
    %ne3A = arith.constant 0 : i32
    %ne3A_9 = vector.broadcast %ne3A : i32 to vector<800x401xi32>
    %ne3A_10 = arith.cmpi ne, %iota3A, %ne3A_9 : vector<800x401xi32>
    %gt3A = arith.constant 5.000000e-02 : f32
    %gt3A_11 = vector.broadcast %gt3A : f32 to vector<800x401xf32>
    %gt3A_12 = arith.cmpf ogt, %mul3A_8, %gt3A_11 : vector<800x401xf32>
    %and3A = arith.andi %ne3A_10, %gt3A_12 : vector<800x401xi1>
    %bitcast_convert_type3A = tpu.bitcast %exp3A : vector<800x401xf32> -> vector<800x401xi32>
    %sub3A_13 = arith.constant 1028443341 : i32
    %sub3A_14 = vector.broadcast %sub3A_13 : i32 to vector<800x401xi32>
    %sub3A_15 = arith.subi %bitcast_convert_type3A, %sub3A_14 : vector<800x401xi32>
    %shift_right_arithmetic3A = arith.constant 4 : i32
    %shift_right_arithmetic3A_16 = vector.broadcast %shift_right_arithmetic3A : i32 to vector<800x401xi32>
    %shift_right_arithmetic3A_17 = arith.shrsi %sub3A_15, %shift_right_arithmetic3A_16 : vector<800x401xi32>
    %add3A = arith.constant 1 : i32
    %add3A_18 = vector.broadcast %add3A : i32 to vector<800x401xi32>
    %add3A_19 = arith.addi %shift_right_arithmetic3A_17, %add3A_18 : vector<800x401xi32>
    %shift_left3A = arith.constant 9 : i32
    %shift_left3A_20 = vector.broadcast %shift_left3A : i32 to vector<800x401xi32>
    %shift_left3A_21 = arith.shli %add3A_19, %shift_left3A_20 : vector<800x401xi32>
    %jit3A = arith.constant 0 : i32
    %broadcast_in_dim3A_22 = vector.broadcast %jit3A : i32 to vector<800x401xi32>
    %select_n3A = arith.select %and3A, %shift_left3A_21, %broadcast_in_dim3A_22 : vector<800x401xi1>, vector<800x401xi32>
    %sub3A_23 = arith.constant 511 : i32
    %sub3A_24 = vector.broadcast %sub3A_23 : i32 to vector<800x401xi32>
    %sub3A_25 = arith.subi %sub3A_24, %iota3A : vector<800x401xi32>
    %or3A = arith.ori %select_n3A, %sub3A_25 : vector<800x401xi32>
    %reduce_max3A_26 = arith.constant dense<-2147483648> : vector<800xi32>
    %reduce_max3A_27 = vector.multi_reduction <maxsi>, %or3A, %reduce_max3A_26 [1] : vector<800x401xi32> to vector<800xi32>
    %broadcast_in_dim3A_28 = vector.shape_cast %reduce_max3A_27 : vector<800xi32> to vector<800x1xi32>
    %eq3A = vector.broadcast %broadcast_in_dim3A_28 : vector<800x1xi32> to vector<800x401xi32>
    %eq3A_29 = arith.cmpi eq, %or3A, %eq3A : vector<800x401xi32>
    %jit3A_30 = arith.constant -1 : i32
    %broadcast_in_dim3A_31 = vector.broadcast %jit3A_30 : i32 to vector<800x401xi32>
    %select_n3A_32 = arith.select %eq3A_29, %broadcast_in_dim3A_31, %or3A : vector<800x401xi1>, vector<800x401xi32>
    %reduce_max3A_33 = arith.constant dense<-2147483648> : vector<800xi32>
    %reduce_max3A_34 = vector.multi_reduction <maxsi>, %select_n3A_32, %reduce_max3A_33 [1] : vector<800x401xi32> to vector<800xi32>
    %broadcast_in_dim3A_35 = vector.shape_cast %reduce_max3A_34 : vector<800xi32> to vector<800x1xi32>
    %eq3A_36 = vector.broadcast %broadcast_in_dim3A_35 : vector<800x1xi32> to vector<800x401xi32>
    %eq3A_37 = arith.cmpi eq, %select_n3A_32, %eq3A_36 : vector<800x401xi32>
    %jit3A_38 = arith.constant -1 : i32
    %broadcast_in_dim3A_39 = vector.broadcast %jit3A_38 : i32 to vector<800x401xi32>
    %select_n3A_40 = arith.select %eq3A_37, %broadcast_in_dim3A_39, %select_n3A_32 : vector<800x401xi1>, vector<800x401xi32>
    %reduce_max3A_41 = arith.constant dense<-2147483648> : vector<800xi32>
    %reduce_max3A_42 = vector.multi_reduction <maxsi>, %select_n3A_40, %reduce_max3A_41 [1] : vector<800x401xi32> to vector<800xi32>
    %broadcast_in_dim3A_43 = vector.shape_cast %reduce_max3A_42 : vector<800xi32> to vector<800x1xi32>
    %eq3A_44 = vector.broadcast %broadcast_in_dim3A_43 : vector<800x1xi32> to vector<800x401xi32>
    %eq3A_45 = arith.cmpi eq, %select_n3A_40, %eq3A_44 : vector<800x401xi32>
    %jit3A_46 = arith.constant -1 : i32
    %broadcast_in_dim3A_47 = vector.broadcast %jit3A_46 : i32 to vector<800x401xi32>
    %select_n3A_48 = arith.select %eq3A_45, %broadcast_in_dim3A_47, %select_n3A_40 : vector<800x401xi1>, vector<800x401xi32>
    %reduce_max3A_49 = arith.constant dense<-2147483648> : vector<800xi32>
    %reduce_max3A_50 = vector.multi_reduction <maxsi>, %select_n3A_48, %reduce_max3A_49 [1] : vector<800x401xi32> to vector<800xi32>
    %broadcast_in_dim3A_51 = vector.shape_cast %reduce_max3A_50 : vector<800xi32> to vector<800x1xi32>
    %eq3A_52 = vector.broadcast %broadcast_in_dim3A_51 : vector<800x1xi32> to vector<800x401xi32>
    %eq3A_53 = arith.cmpi eq, %select_n3A_48, %eq3A_52 : vector<800x401xi32>
    %jit3A_54 = arith.constant -1 : i32
    %broadcast_in_dim3A_55 = vector.broadcast %jit3A_54 : i32 to vector<800x401xi32>
    %select_n3A_56 = arith.select %eq3A_53, %broadcast_in_dim3A_55, %select_n3A_48 : vector<800x401xi1>, vector<800x401xi32>
    %reduce_max3A_57 = arith.constant dense<-2147483648> : vector<800xi32>
    %reduce_max3A_58 = vector.multi_reduction <maxsi>, %select_n3A_56, %reduce_max3A_57 [1] : vector<800x401xi32> to vector<800xi32>
    %broadcast_in_dim3A_59 = vector.shape_cast %reduce_max3A_58 : vector<800xi32> to vector<800x1xi32>
    %eq3A_60 = vector.broadcast %broadcast_in_dim3A_59 : vector<800x1xi32> to vector<800x401xi32>
    %eq3A_61 = arith.cmpi eq, %select_n3A_56, %eq3A_60 : vector<800x401xi32>
    %jit3A_62 = arith.constant -1 : i32
    %broadcast_in_dim3A_63 = vector.broadcast %jit3A_62 : i32 to vector<800x401xi32>
    %select_n3A_64 = arith.select %eq3A_61, %broadcast_in_dim3A_63, %select_n3A_56 : vector<800x401xi1>, vector<800x401xi32>
    %reduce_max3A_65 = arith.constant dense<-2147483648> : vector<800xi32>
    %reduce_max3A_66 = vector.multi_reduction <maxsi>, %select_n3A_64, %reduce_max3A_65 [1] : vector<800x401xi32> to vector<800xi32>
    %broadcast_in_dim3A_67 = vector.shape_cast %reduce_max3A_66 : vector<800xi32> to vector<800x1xi32>
    %eq3A_68 = vector.broadcast %broadcast_in_dim3A_67 : vector<800x1xi32> to vector<800x401xi32>
    %eq3A_69 = arith.cmpi eq, %select_n3A_64, %eq3A_68 : vector<800x401xi32>
    %jit3A_70 = arith.constant -1 : i32
    %broadcast_in_dim3A_71 = vector.broadcast %jit3A_70 : i32 to vector<800x401xi32>
    %select_n3A_72 = arith.select %eq3A_69, %broadcast_in_dim3A_71, %select_n3A_64 : vector<800x401xi1>, vector<800x401xi32>
    %reduce_max3A_73 = arith.constant dense<-2147483648> : vector<800xi32>
    %reduce_max3A_74 = vector.multi_reduction <maxsi>, %select_n3A_72, %reduce_max3A_73 [1] : vector<800x401xi32> to vector<800xi32>
    %broadcast_in_dim3A_75 = vector.shape_cast %reduce_max3A_74 : vector<800xi32> to vector<800x1xi32>
    %eq3A_76 = vector.broadcast %broadcast_in_dim3A_75 : vector<800x1xi32> to vector<800x401xi32>
    %eq3A_77 = arith.cmpi eq, %select_n3A_72, %eq3A_76 : vector<800x401xi32>
    %jit3A_78 = arith.constant -1 : i32
    %broadcast_in_dim3A_79 = vector.broadcast %jit3A_78 : i32 to vector<800x401xi32>
    %select_n3A_80 = arith.select %eq3A_77, %broadcast_in_dim3A_79, %select_n3A_72 : vector<800x401xi1>, vector<800x401xi32>
    %reduce_max3A_81 = arith.constant dense<-2147483648> : vector<800xi32>
    %reduce_max3A_82 = vector.multi_reduction <maxsi>, %select_n3A_80, %reduce_max3A_81 [1] : vector<800x401xi32> to vector<800xi32>
    %broadcast_in_dim3A_83 = vector.shape_cast %reduce_max3A_82 : vector<800xi32> to vector<800x1xi32>
    %eq3A_84 = vector.broadcast %broadcast_in_dim3A_83 : vector<800x1xi32> to vector<800x401xi32>
    %eq3A_85 = arith.cmpi eq, %select_n3A_80, %eq3A_84 : vector<800x401xi32>
    %jit3A_86 = arith.constant -1 : i32
    %broadcast_in_dim3A_87 = vector.broadcast %jit3A_86 : i32 to vector<800x401xi32>
    %select_n3A_88 = arith.select %eq3A_85, %broadcast_in_dim3A_87, %select_n3A_80 : vector<800x401xi1>, vector<800x401xi32>
    %reduce_max3A_89 = arith.constant dense<-2147483648> : vector<800xi32>
    %reduce_max3A_90 = vector.multi_reduction <maxsi>, %select_n3A_88, %reduce_max3A_89 [1] : vector<800x401xi32> to vector<800xi32>
    %broadcast_in_dim3A_91 = vector.shape_cast %reduce_max3A_90 : vector<800xi32> to vector<800x1xi32>
    %eq3A_92 = vector.broadcast %broadcast_in_dim3A_91 : vector<800x1xi32> to vector<800x401xi32>
    %eq3A_93 = arith.cmpi eq, %select_n3A_88, %eq3A_92 : vector<800x401xi32>
    %jit3A_94 = arith.constant -1 : i32
    %broadcast_in_dim3A_95 = vector.broadcast %jit3A_94 : i32 to vector<800x401xi32>
    %select_n3A_96 = arith.select %eq3A_93, %broadcast_in_dim3A_95, %select_n3A_88 : vector<800x401xi1>, vector<800x401xi32>
    %reduce_max3A_97 = arith.constant dense<-2147483648> : vector<800xi32>
    %reduce_max3A_98 = vector.multi_reduction <maxsi>, %select_n3A_96, %reduce_max3A_97 [1] : vector<800x401xi32> to vector<800xi32>
    %broadcast_in_dim3A_99 = vector.shape_cast %reduce_max3A_98 : vector<800xi32> to vector<800x1xi32>
    %eq3A_100 = vector.broadcast %broadcast_in_dim3A_99 : vector<800x1xi32> to vector<800x401xi32>
    %eq3A_101 = arith.cmpi eq, %select_n3A_96, %eq3A_100 : vector<800x401xi32>
    %jit3A_102 = arith.constant -1 : i32
    %broadcast_in_dim3A_103 = vector.broadcast %jit3A_102 : i32 to vector<800x401xi32>
    %select_n3A_104 = arith.select %eq3A_101, %broadcast_in_dim3A_103, %select_n3A_96 : vector<800x401xi1>, vector<800x401xi32>
    %reduce_max3A_105 = arith.constant dense<-2147483648> : vector<800xi32>
    %reduce_max3A_106 = vector.multi_reduction <maxsi>, %select_n3A_104, %reduce_max3A_105 [1] : vector<800x401xi32> to vector<800xi32>
    %broadcast_in_dim3A_107 = vector.shape_cast %reduce_max3A_106 : vector<800xi32> to vector<800x1xi32>
    %eq3A_108 = vector.broadcast %broadcast_in_dim3A_107 : vector<800x1xi32> to vector<800x401xi32>
    %eq3A_109 = arith.cmpi eq, %select_n3A_104, %eq3A_108 : vector<800x401xi32>
    %jit3A_110 = arith.constant -1 : i32
    %broadcast_in_dim3A_111 = vector.broadcast %jit3A_110 : i32 to vector<800x401xi32>
    %select_n3A_112 = arith.select %eq3A_109, %broadcast_in_dim3A_111, %select_n3A_104 : vector<800x401xi1>, vector<800x401xi32>
    %reduce_max3A_113 = arith.constant dense<-2147483648> : vector<800xi32>
    %reduce_max3A_114 = vector.multi_reduction <maxsi>, %select_n3A_112, %reduce_max3A_113 [1] : vector<800x401xi32> to vector<800xi32>
    %broadcast_in_dim3A_115 = vector.shape_cast %reduce_max3A_114 : vector<800xi32> to vector<800x1xi32>
    %eq3A_116 = vector.broadcast %broadcast_in_dim3A_115 : vector<800x1xi32> to vector<800x401xi32>
    %eq3A_117 = arith.cmpi eq, %select_n3A_112, %eq3A_116 : vector<800x401xi32>
    %jit3A_118 = arith.constant -1 : i32
    %broadcast_in_dim3A_119 = vector.broadcast %jit3A_118 : i32 to vector<800x401xi32>
    %select_n3A_120 = arith.select %eq3A_117, %broadcast_in_dim3A_119, %select_n3A_112 : vector<800x401xi1>, vector<800x401xi32>
    %reduce_max3A_121 = arith.constant dense<-2147483648> : vector<800xi32>
    %reduce_max3A_122 = vector.multi_reduction <maxsi>, %select_n3A_120, %reduce_max3A_121 [1] : vector<800x401xi32> to vector<800xi32>
    %broadcast_in_dim3A_123 = vector.shape_cast %reduce_max3A_122 : vector<800xi32> to vector<800x1xi32>
    %eq3A_124 = vector.broadcast %broadcast_in_dim3A_123 : vector<800x1xi32> to vector<800x401xi32>
    %eq3A_125 = arith.cmpi eq, %select_n3A_120, %eq3A_124 : vector<800x401xi32>
    %jit3A_126 = arith.constant -1 : i32
    %broadcast_in_dim3A_127 = vector.broadcast %jit3A_126 : i32 to vector<800x401xi32>
    %select_n3A_128 = arith.select %eq3A_125, %broadcast_in_dim3A_127, %select_n3A_120 : vector<800x401xi1>, vector<800x401xi32>
    %reduce_max3A_129 = arith.constant dense<-2147483648> : vector<800xi32>
    %reduce_max3A_130 = vector.multi_reduction <maxsi>, %select_n3A_128, %reduce_max3A_129 [1] : vector<800x401xi32> to vector<800xi32>
    %broadcast_in_dim3A_131 = vector.shape_cast %reduce_max3A_130 : vector<800xi32> to vector<800x1xi32>
    %eq3A_132 = vector.broadcast %broadcast_in_dim3A_131 : vector<800x1xi32> to vector<800x401xi32>
    %eq3A_133 = arith.cmpi eq, %select_n3A_128, %eq3A_132 : vector<800x401xi32>
    %jit3A_134 = arith.constant -1 : i32
    %broadcast_in_dim3A_135 = vector.broadcast %jit3A_134 : i32 to vector<800x401xi32>
    %select_n3A_136 = arith.select %eq3A_133, %broadcast_in_dim3A_135, %select_n3A_128 : vector<800x401xi1>, vector<800x401xi32>
    %reduce_max3A_137 = arith.constant dense<-2147483648> : vector<800xi32>
    %reduce_max3A_138 = vector.multi_reduction <maxsi>, %select_n3A_136, %reduce_max3A_137 [1] : vector<800x401xi32> to vector<800xi32>
    %broadcast_in_dim3A_139 = vector.shape_cast %reduce_max3A_138 : vector<800xi32> to vector<800x1xi32>
    %eq3A_140 = vector.broadcast %broadcast_in_dim3A_139 : vector<800x1xi32> to vector<800x401xi32>
    %eq3A_141 = arith.cmpi eq, %select_n3A_136, %eq3A_140 : vector<800x401xi32>
    %jit3A_142 = arith.constant -1 : i32
    %broadcast_in_dim3A_143 = vector.broadcast %jit3A_142 : i32 to vector<800x401xi32>
    %select_n3A_144 = arith.select %eq3A_141, %broadcast_in_dim3A_143, %select_n3A_136 : vector<800x401xi1>, vector<800x401xi32>
    %reduce_max3A_145 = arith.constant dense<-2147483648> : vector<800xi32>
    %reduce_max3A_146 = vector.multi_reduction <maxsi>, %select_n3A_144, %reduce_max3A_145 [1] : vector<800x401xi32> to vector<800xi32>
    %broadcast_in_dim3A_147 = vector.shape_cast %reduce_max3A_146 : vector<800xi32> to vector<800x1xi32>
    %concatenate3A = tpu.concatenate %broadcast_in_dim3A_28, %broadcast_in_dim3A_35, %broadcast_in_dim3A_43, %broadcast_in_dim3A_51, %broadcast_in_dim3A_59, %broadcast_in_dim3A_67, %broadcast_in_dim3A_75, %broadcast_in_dim3A_83, %broadcast_in_dim3A_91, %broadcast_in_dim3A_99, %broadcast_in_dim3A_107, %broadcast_in_dim3A_115, %broadcast_in_dim3A_123, %broadcast_in_dim3A_131, %broadcast_in_dim3A_139, %broadcast_in_dim3A_147 in 1 : vector<800x1xi32>, vector<800x1xi32>, vector<800x1xi32>, vector<800x1xi32>, vector<800x1xi32>, vector<800x1xi32>, vector<800x1xi32>, vector<800x1xi32>, vector<800x1xi32>, vector<800x1xi32>, vector<800x1xi32>, vector<800x1xi32>, vector<800x1xi32>, vector<800x1xi32>, vector<800x1xi32>, vector<800x1xi32> -> vector<800x16xi32>
    %shift_right_arithmetic3A_148 = arith.constant 9 : i32
    %shift_right_arithmetic3A_149 = vector.broadcast %shift_right_arithmetic3A_148 : i32 to vector<800x16xi32>
    %shift_right_arithmetic3A_150 = arith.shrsi %concatenate3A, %shift_right_arithmetic3A_149 : vector<800x16xi32>
    %sub3A_151 = arith.constant 1 : i32
    %sub3A_152 = vector.broadcast %sub3A_151 : i32 to vector<800x16xi32>
    %sub3A_153 = arith.subi %shift_right_arithmetic3A_150, %sub3A_152 : vector<800x16xi32>
    %shift_left3A_154 = arith.constant 4 : i32
    %shift_left3A_155 = vector.broadcast %shift_left3A_154 : i32 to vector<800x16xi32>
    %shift_left3A_156 = arith.shli %sub3A_153, %shift_left3A_155 : vector<800x16xi32>
    %add3A_157 = arith.constant 1028443349 : i32
    %add3A_158 = vector.broadcast %add3A_157 : i32 to vector<800x16xi32>
    %add3A_159 = arith.addi %shift_left3A_156, %add3A_158 : vector<800x16xi32>
    %bitcast_convert_type3A_160 = tpu.bitcast %add3A_159 : vector<800x16xi32> -> vector<800x16xf32>
    %gt3A_161 = arith.constant 0 : i32
    %gt3A_162 = vector.broadcast %gt3A_161 : i32 to vector<800x16xi32>
    %gt3A_163 = arith.cmpi sgt, %shift_right_arithmetic3A_150, %gt3A_162 : vector<800x16xi32>
    %mul3A_164 = vector.broadcast %div3A_7 : vector<800x1xf32> to vector<800x16xf32>
    %mul3A_165 = arith.mulf %bitcast_convert_type3A_160, %mul3A_164 : vector<800x16xf32>
    %jit3A_166 = arith.constant 0.000000e+00 : f32
    %broadcast_in_dim3A_167 = vector.broadcast %jit3A_166 : f32 to vector<800x16xf32>
    %select_n3A_168 = arith.select %gt3A_163, %mul3A_165, %broadcast_in_dim3A_167 : vector<800x16xi1>, vector<800x16xf32>
    %swap3A = arith.constant 0 : index
    %swap3A_169 = arith.constant 0 : index
    %swap3A_170 = vector.load %arg2[%swap3A, %swap3A_169] : memref<800x16xf32, #tpu.memory_space<vmem>>, vector<800x16xf32>
    tpu.vector_store %arg2[%swap3A, %swap3A_169], %select_n3A_168 {strides = array<i32>} : memref<800x16xf32, #tpu.memory_space<vmem>>, vector<800x16xf32>,
    %and3A_171 = arith.constant 511 : i32
    %and3A_172 = vector.broadcast %and3A_171 : i32 to vector<800x16xi32>
    %and3A_173 = arith.andi %concatenate3A, %and3A_172 : vector<800x16xi32>
    %sub3A_174 = arith.constant 511 : i32
    %sub3A_175 = vector.broadcast %sub3A_174 : i32 to vector<800x16xi32>
    %sub3A_176 = arith.subi %sub3A_175, %and3A_173 : vector<800x16xi32>
    %swap3A_177 = arith.constant 0 : index
    %swap3A_178 = arith.constant 0 : index
    %swap3A_179 = vector.load %arg3[%swap3A_177, %swap3A_178] : memref<800x16xi32, #tpu.memory_space<vmem>>, vector<800x16xi32>
    tpu.vector_store %arg3[%swap3A_177, %swap3A_178], %sub3A_176 {strides = array<i32>} : memref<800x16xi32, #tpu.memory_space<vmem>>, vector<800x16xi32>,
    return
  }
  func.func @transform_0(%arg0: i32) -> (i32, i32) {
    %c0_i32 = arith.constant 0 : i32
    %c0_i32_0 = arith.constant 0 : i32
    return %arg0, %c0_i32 : i32, i32
  }
  func.func @transform_1(%arg0: i32) -> (i32, i32) {
    %c0_i32 = arith.constant 0 : i32
    %c0_i32_0 = arith.constant 0 : i32
    return %arg0, %c0_i32 : i32, i32
  }
  func.func @transform_2(%arg0: i32) -> (i32, i32) {
    %c0_i32 = arith.constant 0 : i32
    %c0_i32_0 = arith.constant 0 : i32
    return %arg0, %c0_i32 : i32, i32
  }
}

</mosaic_0001>

<sc_bundles>
// kernel: kernel.4.cloned.1.call-start
scs
__scs_entry_jumppad:
0x0: {  	(pc) =	sbr.rel $0x88, $3  }
0x1: {  	(tag) =	ssettag $0x0;
	lr =	simm.s32 $0x1  }
0x2: {  	[smem:$0x3F9F] =	sst lr;
	_ =	strace $0xD0000000  }
0x3: {  	_ = 	snop  }
0x4: {  	_ = 	snop  }
0x5: {  	_ = 	snop  }
0x6: {  	_ = 	snop  }
0x7: {  	_ = 	snop  }
__scs_overlays_trampoline_lowered:
0x8: {  	[smem:$0x3FAE] =	sst s0  }
0x9: {  	[smem:$0x3FAF] =	sst s1  }
0xa: {  	[smem:$0x3FB0] =	sst s2  }
0xb: {  	[smem:$0x3FB1] =	sst s3  }
0xc: {  	[smem:$0x3FB2] =	sst s4  }
0xd: {  	[smem:$0x3FB3] =	sst s5  }
0xe: {  	[smem:$0x3FB4] =	sst s6  }
0xf: {  	[smem:$0x3FB5] =	sst s7  }
0x10: {  	[smem:$0x3FB6] =	sst s8  }
0x11: {  	[smem:$0x3FB7] =	sst s9;
	s0 =	simm.s32 @!p0 $0x0  }
0x12: {  	s1 =	sld [smem:$0x3F9D];
	s0 =	simm.s32 @p0 $0x1  }
0x13: {  	[smem:$0x3FB8] =	sst s0;
	s0 =	simm.s32 @!p1 $0x0  }
0x14: {  	s2 =	sld [smem:$0x3F9C];
	s0 =	simm.s32 @p1 $0x1  }
0x15: {  	[smem:$0x3FB9] =	sst s0;
	s0 =	simm.s32 @!p2 $0x0  }
0x16: {  	s3 =	sld [smem:$0x3FDB];
	s0 =	simm.s32 @p2 $0x1  }
0x17: {  	s4 =	simm.s32 $0x1BF5;
	[smem:$0x3FBB] =	sst s0  }
0x18: {  	s0 =	sld [smem:$0x3F9E];
	_ =	swait.ge [sflag:s4], $0x0  }
0x19: {  	s7 =	sld [smem:$0x3F9F]  }
0x1a: {  	s8 =	sadd.s32 $0xFFFFE003, lr  }
0x1b: {  	s9 =	sadd.s32 $0xFFFFFEF7, lr;
	s5 =	simm.s32 $0xFFFFFFFF;
	p2 =	slt.u32 s8, $0xFFFFF086  }
0x1c: {  	p1 =	slt.u32 s9, $0xF7A;
	s5 =	simm.s32 @!p2 $0x0  }
0x1d: {  	s5 =	simm.s32 @p1 $0x1;
	p0 =	seq.s32 s7, s2  }
0x1e: {  	s7 =	smul.u32 @!p0 $0xF7A, s2;
	p2 =	seq.s32 @!p0 s5, $0x0  }
0x1f: {  	s9 =	smul.u32 $0xF7A, s1;
	s8 =	simm.s32 @!p0 $0x1BF5;
	p2 =	por !p2, p0  }
0x20: {  	[sflag:s8] =	ssyncset.s32 @!p0 $0xFFFFF086;
	s6 =	sadd.s32 @!p0 s3, s7;
	s7 =	simm.s32 @!p0 $0x108  }
0x21: {  	s3 =	sadd.s32 s3, s9;
	s6 =	sadd.s32 @!p0 $0x88, s6;
	s7 =	simm.s32 @p2 $0x1082  }
0x22: {  	[simem:s7], [sflag:s8] =	dma.local @!p0 [hbm:s6], $0xF7A  }
0x23: {  	s9 =	sor.u32 $0xD0000000, s2;
	s6 =	simm.s32 $0x108;
	_ =	swait.ge @!p0 [sflag:s8], $0x0  }
0x24: {  	s3 =	sadd.s32 $0x88, s3;
	s6 =	simm.s32 @!p1 $0x1082;
	[sflag:s4] =	ssyncset.s32 $0xFFFFF086  }
0x25: {  	[simem:s6], [sflag:s4] =	dma.local [hbm:s3], $0xF7A  }
0x26: {  	[smem:$0x3F9F] =	sst s1;
	(tag) =	ssettag s2;
	_ =	strace s9  }
0x27: {  	s1 =	sld [smem:$0x3FAF]  }
0x28: {  	s2 =	sld [smem:$0x3FB0]  }
0x29: {  	s4 =	sld [smem:$0x3FB2]  }
0x2a: {  	p0 =	seq.s32 s5, $0x0;
	s5 =	sld [smem:$0x3FB3]  }
0x2b: {  	s6 =	sld [smem:$0x3FB4]  }
0x2c: {  	s7 =	sld [smem:$0x3FB5]  }
0x2d: {  	s3 =	simm.s32 $0x108;
	s8 =	sld [smem:$0x3FB6]  }
0x2e: {  	s3 =	simm.s32 @!p0 $0x1082;
	s9 =	sld [smem:$0x3FB7]  }
0x2f: {  	lr =	sadd.s32 s0, s3;
	s0 =	sld [smem:$0x3FAE]  }
0x30: {  	s3 =	sld [smem:$0x3FB1]  }
0x31: {  	[smem:$0x3FBA] =	sst s10  }
0x32: {  	s10 =	sld [smem:$0x3FB8];
	_ =	sdelay $0x3  }
0x33: {  	p0 =	seq.s32 s10, $0x1;
	s10 =	sld [smem:$0x3FBA];
	_ =	sdelay $0x3  }
0x34: {  	[smem:$0x3FBA] =	sst s10  }
0x35: {  	s10 =	sld [smem:$0x3FB9];
	_ =	sdelay $0x3  }
0x36: {  	p1 =	seq.s32 s10, $0x1;
	s10 =	sld [smem:$0x3FBA];
	_ =	sdelay $0x3  }
0x37: {  	[smem:$0x3FBA] =	sst s10  }
0x38: {  	s10 =	sld [smem:$0x3FBB]  }
0x39: {  	_ = 	snop;
	(pc) =	sbr.ind lr, $3  }
0x3a: {  	_ = 	snop  }
0x3b: {  	_ = 	snop  }
0x3c: {  	p2 =	seq.s32 s10, $0x1;
	s10 =	sld [smem:$0x3FBA]  }
0x3d: {  	_ =	shalt  }
0x3e: {  	_ =	shalt  }
0x3f: {  	_ =	shalt  }
0x40: {  	_ =	shalt  }
0x41: {  	_ =	shalt  }
0x42: {  	_ =	shalt  }
0x43: {  	_ =	shalt  }
0x44: {  	_ =	shalt  }
0x45: {  	_ =	shalt  }
0x46: {  	_ =	shalt  }
0x47: {  	_ =	shalt  }
0x48: {  	_ =	shalt  }
0x49: {  	_ =	shalt  }
0x4a: {  	_ =	shalt  }
0x4b: {  	_ =	shalt  }
0x4c: {  	_ =	shalt  }
0x4d: {  	_ =	shalt  }
0x4e: {  	_ =	shalt  }
0x4f: {  	_ =	shalt  }
0x50: {  	_ =	shalt  }
0x51: {  	_ =	shalt  }
0x52: {  	_ =	shalt  }
0x53: {  	_ =	shalt  }
0x54: {  	_ =	shalt  }
0x55: {  	_ =	shalt  }
0x56: {  	_ =	shalt  }
0x57: {  	_ =	shalt  }
0x58: {  	_ =	shalt  }
0x59: {  	_ =	shalt  }
0x5a: {  	_ =	shalt  }
0x5b: {  	_ =	shalt  }
0x5c: {  	_ =	shalt  }
0x5d: {  	_ =	shalt  }
0x5e: {  	_ =	shalt  }
0x5f: {  	_ =	shalt  }
0x60: {  	_ =	shalt  }
0x61: {  	_ =	shalt  }
0x62: {  	_ =	shalt  }
0x63: {  	_ =	shalt  }
0x64: {  	_ =	shalt  }
0x65: {  	_ =	shalt  }
0x66: {  	_ =	shalt  }
0x67: {  	_ =	shalt  }
0x68: {  	_ =	shalt  }
0x69: {  	_ =	shalt  }
0x6a: {  	_ =	shalt  }
0x6b: {  	_ =	shalt  }
0x6c: {  	_ =	shalt  }
0x6d: {  	_ =	shalt  }
0x6e: {  	_ =	shalt  }
0x6f: {  	_ =	shalt  }
0x70: {  	_ =	shalt  }
0x71: {  	_ =	shalt  }
0x72: {  	_ =	shalt  }
0x73: {  	_ =	shalt  }
0x74: {  	_ =	shalt  }
0x75: {  	_ =	shalt  }
0x76: {  	_ =	shalt  }
0x77: {  	_ =	shalt  }
0x78: {  	_ =	shalt  }
0x79: {  	_ =	shalt  }
0x7a: {  	_ =	shalt  }
0x7b: {  	_ =	shalt  }
0x7c: {  	_ =	shalt  }
0x7d: {  	_ =	shalt  }
0x7e: {  	_ =	shalt  }
0x7f: {  	_ =	shalt  }
0x80: {  	_ =	shalt  }
0x81: {  	_ =	shalt  }
0x82: {  	_ =	shalt  }
0x83: {  	_ =	shalt  }
0x84: {  	_ =	shalt  }
0x85: {  	_ =	shalt  }
0x86: {  	_ =	shalt  }
0x87: {  	_ =	shalt  }
.Lfunc_end0:
.L_simem_size_0:
called_computation.1_lowered:
.L_overlay_start_0:
0x88: {  	s2 =	sld [smem:$0x3FD9]  }
0x89: {  	s3 =	sld [smem:$0x3FFE];
	_ =	sdelay $0x1  }
0x8a: {  	s1 =	srdreg.scid  }
0x8b: {  	s0 =	sand.u32 $0x1, s1  }
0x8c: {  	s14 =	sshll.u32 s0, $0xA;
	s2 =	sadd.s32 s3, s2  }
0x8d: {  	s2 =	sadd.s32 s2, s14  }
0x8e: {  	[smem:$0x3FC6] =	sst s2  }
0x8f: {  	_ = 	snop  }
0x90: {  	s2 =	sld [smem:$0x3FD0];
	_ =	sdelay $0x2  }
0x91: {  	s15 =	simm.s32 $0xA;
	s4 =	simm.s32 $0x10  }
0x92: {  	[smem:s4], [sflag:s15] =	dma.local [hbm:s2], $0x1  }
0x93: {  	_ =	swait.eq [sflag:s15], $0x1  }
0x94: {  	[sflag:s15] =	ssyncset.done $0x0  }
0x95: {  	[sflag:s15] =	ssyncadd.s32 $0xFFFFFFFF  }
0x96: {  	s16 =	sld [smem:$0x12];
	(tm) =	ssettm $0x1  }
0x97: {  	s17 =	sld [smem:$0x3FFB];
	_ =	sdelay $0x3  }
0x98: {  	_ =	strace s17  }
0x99: {  	s3 =	sld [smem:$0x3FFC];
	_ =	sdelay $0x3  }
0x9a: {  	_ =	strace s3  }
0x9b: {  	s3 =	sld [smem:$0x3FFD];
	_ =	sdelay $0x3  }
0x9c: {  	_ =	strace s3  }
0x9d: {  	_ =	strace $0x8FFFFFFF  }
0x9e: {  	s18 =	sld [smem:$0x3FDB];
	_ =	sdelay $0x1  }
0x9f: {  	s19 =	simm.s32 $_scs_section_size  }
0xa0: {  	s5 =	simm.s32 $_size__tile_overlayer_lowered;
	s6 =	simm.s32 $_tile_overlayer_lowered  }
0xa1: {  	s22 =	simm.s32 $0x1BFF;
	s21 =	sshll.u32 s6, $0x1;
	s3 =	sadd.s32 s19, s18  }
0xa2: {  	s7 =	simm.s32 $0x0;
	s20 =	sshll.u32 s5, $0x1;
	s5 =	sadd.s32 s21, s3  }
0xa3: {  	[timem:s7], [sflag:s22] =	dma.local [hbm:s5], s20  }
0xa4: {  	_ =	swait.ge [sflag:s22], s20  }
0xa5: {  	s4 =	ssub.s32 $0x0, s20;
	[sflag:s22] =	ssyncset.done $0x0  }
0xa6: {  	[sflag:s22] =	ssyncadd.s32 s4;
	_ =	sdelay $0x1  }
0xa7: {  	s23 =	simm.s32 $0x1B8B  }
0xa8: {  	_ =	swait.ge [sflag:s23], $0x1  }
0xa9: {  	[sflag:s23] =	ssyncset.done $0x0  }
0xaa: {  	s25 =	simm.s32 $0x1B8E;
	s24 =	sld [smem:$0x3FFE];
	[sflag:s23] =	ssyncadd.s32 $0xFFFFFFFF  }
0xab: {  	s26 =	simm.s32 $execute0_lowered;
	[smem:$0x3FD2] =	sst s25  }
0xac: {  	s5 =	sshll.u32 s26, $0x1;
	_ =	strace $0x80000049;
	[dreg:$0x1] =	wrdreg $0xFFFFFFFF  }
0xad: {  	s28 =	simm.s32 $_size_execute0_lowered;
	s3 =	sadd.s32 s3, s5;
	[dreg:$0x0] =	wrdreg $0x0  }
0xae: {  	s5 =	sshll.u32 s28, $0x1;
	[dreg:$0x2] =	wrdreg s3  }
0xaf: {  	[dreg:$0x3] =	wrdreg s5  }
0xb0: {  	[dreg:$0x4] =	wrdreg $0xC0  }
0xb1: {  	_ =	task [dreg:s7], $0x5FFFF  }
0xb2: {  	[dreg:$0x1] =	wrdreg $0xFFFFFFFF  }
0xb3: {  	[dreg:$0x0] =	wrdreg $0x60  }
0xb4: {  	[dreg:$0x2] =	wrdreg s16  }
0xb5: {  	[dreg:$0x3] =	wrdreg s24  }
0xb6: {  	[dreg:$0x4] =	wrdreg $0x9  }
0xb7: {  	_ =	task.clear_ibuf [dreg:s7], $0x5FFFF;
	_ =	strace $0x90000049  }
0xb8: {  	s29 =	simm.s32 $0x9;
	_ =	strace $0x8000004B  }
0xb9: {  	_ =	swait.ge [sflag:s29], $0x1  }
0xba: {  	[sflag:s29] =	ssyncadd.s32 $0xFFFFFFFF  }
0xbb: {  	_ =	strace $0x9000004B  }
0xbc: {  	_ =	sfence  }
0xbd: {  	s30 =	sld [smem:$0x0];
	_ =	sdelay $0x2  }
0xbe: {  	s31 =	sshll.u32 s1, $0xD;
	s1 =	sshrl.u32 s1, $0x2  }
0xbf: {  	s3 =	sand.u32 $0x4000, s31;
	s1 =	sadd.s32 s1, s30  }
0xc0: {  	s0 =	sor.u32 s3, s0;
	s1 =	sshll.u32 s1, $0x11  }
0xc1: {  	s0 =	sor.u32 s1, s0  }
0xc2: {  	s0 =	sadd.s32 $0x8F2B, s0  }
0xc3: {  	[sflag:s0] =	ssyncadd.remote.s32 $0x1  }
0xc4: {  	_ =	sfence.sel $0xFFFF  }
0xc5: {  	[dreg:$0x0] =	wrdreg $0xFFFFFFFF;
	(pc) =	sbr.abs _section_cstart, $3  }
0xc6: {  	[dreg:$0x1] =	wrdreg $0xFFFFFFFF  }
0xc7: {  	_ =	task.clear_ibuf [dreg:s7], $0x2FFFF;
	_ =	strace $0x9FFFFFFF  }
0xc8: {  	(tm) =	ssettm $0x7FFFFFFF  }
0xc9: {  	_ =	shalt  }
tec
execute0_lowered:
.L_overlay_start_1:
0x0: {  	(tag) =	ssettag $0x1  }
0x1: {  	s0 =	srdreg.scid;
	s1 =	stileid.u32  }
0x2: {  	s5 =	sand.u32 $0x1, s0;
	s12 =	sshll.u32 s1, $0x1  }
0x3: {  	s0 =	sor.u32 s5, s12  }
0x4: {  	s3 =	rddreg [dreg:$0x1];
	s0 =	smul.u32 $0x138800, s0  }
0x5: {  	s2 =	simm.s32 $0x0;
	s1 =	rddreg [dreg:$0x0]  }
0x6: {  	[smem:$0x7FF] =	sst s2;
	s4 =	sshrl.u32 s0, $0x3  }
0x7: {  	s3 =	sadd.s32 $0xC00, s3;
	_ =	strace $0x8000004A;
	s0 =	sadd.s32 s1, s4  }
0x8: {  	s13 =	sadd.s32 s3, s4;
	s6 =	sadd.s32 $0x1900, s4;
	[dreg:$0x3] =	wrdreg s0  }
0x9: {  	[dreg:$0x4] =	wrdreg s13;
	s14 =	sadd.s32 s1, s6  }
0xa: {  	s16 =	sadd.s32 $0x3200, s4;
	s15 =	sadd.s32 s3, s6;
	[dreg:$0x5] =	wrdreg s14  }
0xb: {  	s17 =	sadd.s32 s1, s16;
	[dreg:$0x6] =	wrdreg s15  }
0xc: {  	s19 =	sadd.s32 $0x4B00, s4;
	s18 =	sadd.s32 s3, s16;
	[dreg:$0x7] =	wrdreg s17  }
0xd: {  	s20 =	sadd.s32 s1, s19;
	[dreg:$0x8] =	wrdreg s18  }
0xe: {  	s22 =	sadd.s32 $0x6400, s4;
	s21 =	sadd.s32 s3, s19;
	[dreg:$0x9] =	wrdreg s20  }
0xf: {  	p0 =	por $0x0, $0x0;
	s23 =	sadd.s32 s1, s22;
	[dreg:$0xa] =	wrdreg s21  }
0x10: {  	s25 =	sadd.s32 $0x7D00, s4;
	s24 =	sadd.s32 s3, s22;
	[dreg:$0xb] =	wrdreg s23  }
0x11: {  	s5 =	ssub.s32 $0x2, s5;
	s26 =	sadd.s32 s1, s25;
	[dreg:$0xc] =	wrdreg s24  }
0x12: {  	s7 =	sadd.s32 $0x9600, s4;
	s6 =	sadd.s32 s3, s25;
	[dreg:$0xd] =	wrdreg s26  }
0x13: {  	s10 =	sadd.s32 $0xAF00, s4;
	s8 =	sadd.s32 s1, s7;
	[dreg:$0xe] =	wrdreg s6  }
0x14: {  	s9 =	sadd.s32 s3, s7;
	s11 =	sadd.s32 s1, s10;
	[dreg:$0xf] =	wrdreg s8  }
0x15: {  	s12 =	sadd.s32 s3, s10;
	s13 =	sadd.s32 $0xC800, s4;
	[dreg:$0x10] =	wrdreg s9  }
0x16: {  	s16 =	sadd.s32 $0xE100, s4;
	s19 =	sadd.s32 $0xFA00, s4;
	[dreg:$0x11] =	wrdreg s11  }
0x17: {  	s22 =	sadd.s32 $0x11300, s4;
	s25 =	sadd.s32 $0x12C00, s4;
	[dreg:$0x12] =	wrdreg s12  }
0x18: {  	s7 =	sshrl.u32 s5, $0x1;
	s14 =	sadd.s32 s1, s13;
	s0 =	rddreg [dreg:$0x3]  }
0x19: {  	s10 =	sadd.s32 $0x15E00, s4;
	s15 =	sadd.s32 s3, s13;
	[dreg:$0x13] =	wrdreg s14  }
0x1a: {  	s17 =	sadd.s32 s1, s16;
	s18 =	sadd.s32 s3, s16;
	[dreg:$0x14] =	wrdreg s15  }
0x1b: {  	s20 =	sadd.s32 s1, s19;
	s21 =	sadd.s32 s3, s19;
	[dreg:$0x15] =	wrdreg s17  }
0x1c: {  	s23 =	sadd.s32 s1, s22;
	s24 =	sadd.s32 s3, s22;
	[dreg:$0x16] =	wrdreg s18  }
0x1d: {  	s26 =	sadd.s32 s1, s25;
	s6 =	sadd.s32 s3, s25;
	[dreg:$0x17] =	wrdreg s20  }
0x1e: {  	s8 =	sadd.s32 $0x14500, s4;
	s7 =	ssub.s32 s5, s7;
	[dreg:$0x18] =	wrdreg s21  }
0x1f: {  	s30 =	sadd.s32 s1, s10;
	s29 =	sadd.s32 s3, s10;
	[dreg:$0x19] =	wrdreg s23  }
0x20: {  	s11 =	sadd.s32 $0x17700, s4;
	s12 =	sadd.s32 $0x19000, s4;
	[dreg:$0x1a] =	wrdreg s24  }
0x21: {  	s13 =	sadd.s32 $0x1A900, s4;
	s16 =	sadd.s32 $0x1F400, s4;
	[dreg:$0x1b] =	wrdreg s26  }
0x22: {  	s5 =	sadd.s32 $0x20D00, s4;
	[dreg:$0x1c] =	wrdreg s6;
	s9 =	sadd.s32 s1, s8  }
0x23: {  	s31 =	sadd.s32 s3, s8;
	s28 =	sadd.s32 s1, s11;
	s26 =	sadd.s32 s3, s11  }
0x24: {  	s25 =	sadd.s32 s1, s12;
	s24 =	sadd.s32 s3, s12;
	s23 =	sadd.s32 s1, s13  }
0x25: {  	s22 =	sadd.s32 s3, s13;
	s14 =	sadd.s32 $0x1C200, s4;
	s15 =	sadd.s32 $0x1DB00, s4  }
0x26: {  	s17 =	sadd.s32 s1, s16;
	s16 =	sadd.s32 s3, s16;
	s13 =	sadd.s32 s3, s5  }
0x27: {  	s6 =	sadd.s32 $0x22600, s4;
	s8 =	sadd.s32 $0x23F00, s4;
	s12 =	sadd.s32 $0x25800, s4  }
0x28: {  	s21 =	sadd.s32 s1, s14;
	s20 =	sadd.s32 s3, s14;
	s14 =	smax.u32 s7, $0x1  }
0x29: {  	s4 =	simm.s32 $0x3;
	[dreg:$0x1d] =	wrdreg s9;
	p1 =	sne.s32 s14, $0x1  }
.Ltmp0:
0x2a: {  	s19 =	sadd.s32 s1, s15;
	s18 =	sadd.s32 s3, s15;
	(pc) =	sbr.rel @!p1 .LBB2_3-.Ltmp0, $4  }
0x2b: {  	s15 =	sadd.s32 s1, s5;
	s11 =	sadd.s32 s1, s6;
	s10 =	sadd.s32 s3, s6  }
0x2c: {  	s9 =	sadd.s32 s1, s8;
	s6 =	sadd.s32 s3, s8;
	s5 =	sadd.s32 s1, s12  }
0x2d: {  	s3 =	sadd.s32 s3, s12;
	s7 =	simm.s32 $0x1;
	s12 =	simm.s32 $0xC800  }
0x2e: {  	s8 =	simm.s32 $0x4;
	s1 =	sadd.s32 $0xFFFFFFFF, s14;
	s14 =	simm.s32 $0x2  }
0x2f: {  	[tilespmem:s2], [sflag:$0x1] =	stream.linear.gather [hbm4b:s0+s2], $0xC800, $0x38;
	[tilespmem:$0x19000] =	vst v63  }
0x30: {  	_ =	swait.ge [sflag:s7], $0xC800  }
0x31: {  	[dreg:$0x1e] =	wrdreg s1;
	[sflag:s7] =	ssyncset.done $0x0  }
0x32: {  	s0 =	rddreg [dreg:$0x4];
	[sflag:s7] =	ssyncadd.s32 $0xFFFF3800  }
0x33: {  	[hbm4b:s0+s2] =	stream.linear.scatter [tilespmem:s2], [sflag:$0x3], $0xC800, $0x38;
	[tilespmem:$0x19000] =	vst v63  }
0x34: {  	s1 =	rddreg [dreg:$0x5]  }
0x35: {  	[tilespmem:s12], [sflag:$0x2] =	stream.linear.gather [hbm4b:s1+s2], $0xC800, $0x38;
	[tilespmem:$0x19000] =	vst v63  }
0x36: {  	_ =	swait.ge [sflag:s14], $0xC800  }
0x37: {  	[sflag:s14] =	ssyncset.done $0x0  }
0x38: {  	s1 =	rddreg [dreg:$0x6];
	[sflag:s14] =	ssyncadd.s32 $0xFFFF3800  }
0x39: {  	[hbm4b:s1+s2] =	stream.linear.scatter [tilespmem:s12], [sflag:$0x4], $0xC800, $0x38;
	[tilespmem:$0x19000] =	vst v63  }
0x3a: {  	_ =	swait.ge [sflag:s4], $0xC800  }
0x3b: {  	[sflag:s4] =	ssyncset.done $0x0  }
0x3c: {  	s1 =	rddreg [dreg:$0x7];
	[sflag:s4] =	ssyncadd.s32 $0xFFFF3800  }
0x3d: {  	[tilespmem:s2], [sflag:$0x1] =	stream.linear.gather [hbm4b:s1+s2], $0xC800, $0x38;
	[tilespmem:$0x19000] =	vst v63  }
0x3e: {  	_ =	swait.ge [sflag:s7], $0xC800  }
0x3f: {  	[sflag:s7] =	ssyncset.done $0x0  }
0x40: {  	s1 =	rddreg [dreg:$0x8];
	[sflag:s7] =	ssyncadd.s32 $0xFFFF3800  }
0x41: {  	[hbm4b:s1+s2] =	stream.linear.scatter [tilespmem:s2], [sflag:$0x3], $0xC800, $0x38;
	[tilespmem:$0x19000] =	vst v63  }
0x42: {  	_ =	swait.ge [sflag:s8], $0xC800  }
0x43: {  	[sflag:s8] =	ssyncset.done $0x0  }
0x44: {  	s1 =	rddreg [dreg:$0x9];
	[sflag:s8] =	ssyncadd.s32 $0xFFFF3800  }
0x45: {  	[tilespmem:s12], [sflag:$0x2] =	stream.linear.gather [hbm4b:s1+s2], $0xC800, $0x38;
	[tilespmem:$0x19000] =	vst v63  }
0x46: {  	_ =	swait.ge [sflag:s14], $0xC800  }
0x47: {  	[sflag:s14] =	ssyncset.done $0x0  }
0x48: {  	s1 =	rddreg [dreg:$0xa];
	[sflag:s14] =	ssyncadd.s32 $0xFFFF3800  }
0x49: {  	[hbm4b:s1+s2] =	stream.linear.scatter [tilespmem:s12], [sflag:$0x4], $0xC800, $0x38;
	[tilespmem:$0x19000] =	vst v63  }
0x4a: {  	_ =	swait.ge [sflag:s4], $0xC800  }
0x4b: {  	[sflag:s4] =	ssyncset.done $0x0  }
0x4c: {  	s1 =	rddreg [dreg:$0xb];
	[sflag:s4] =	ssyncadd.s32 $0xFFFF3800  }
0x4d: {  	[tilespmem:s2], [sflag:$0x1] =	stream.linear.gather [hbm4b:s1+s2], $0xC800, $0x38;
	[tilespmem:$0x19000] =	vst v63  }
0x4e: {  	_ =	swait.ge [sflag:s7], $0xC800  }
0x4f: {  	[sflag:s7] =	ssyncset.done $0x0  }
0x50: {  	s1 =	rddreg [dreg:$0xc];
	[sflag:s7] =	ssyncadd.s32 $0xFFFF3800  }
0x51: {  	[hbm4b:s1+s2] =	stream.linear.scatter [tilespmem:s2], [sflag:$0x3], $0xC800, $0x38;
	[tilespmem:$0x19000] =	vst v63  }
0x52: {  	_ =	swait.ge [sflag:s8], $0xC800  }
0x53: {  	[sflag:s8] =	ssyncset.done $0x0  }
0x54: {  	s1 =	rddreg [dreg:$0xd];
	[sflag:s8] =	ssyncadd.s32 $0xFFFF3800  }
0x55: {  	[tilespmem:s12], [sflag:$0x2] =	stream.linear.gather [hbm4b:s1+s2], $0xC800, $0x38;
	[tilespmem:$0x19000] =	vst v63  }
0x56: {  	_ =	swait.ge [sflag:s14], $0xC800  }
0x57: {  	[sflag:s14] =	ssyncset.done $0x0  }
0x58: {  	s1 =	rddreg [dreg:$0xe];
	[sflag:s14] =	ssyncadd.s32 $0xFFFF3800  }
0x59: {  	[hbm4b:s1+s2] =	stream.linear.scatter [tilespmem:s12], [sflag:$0x4], $0xC800, $0x38;
	[tilespmem:$0x19000] =	vst v63  }
0x5a: {  	_ =	swait.ge [sflag:s4], $0xC800  }
0x5b: {  	[sflag:s4] =	ssyncset.done $0x0  }
0x5c: {  	s1 =	rddreg [dreg:$0xf];
	[sflag:s4] =	ssyncadd.s32 $0xFFFF3800  }
0x5d: {  	[tilespmem:s2], [sflag:$0x1] =	stream.linear.gather [hbm4b:s1+s2], $0xC800, $0x38;
	[tilespmem:$0x19000] =	vst v63  }
0x5e: {  	_ =	swait.ge [sflag:s7], $0xC800  }
0x5f: {  	[sflag:s7] =	ssyncset.done $0x0  }
0x60: {  	s1 =	rddreg [dreg:$0x10];
	[sflag:s7] =	ssyncadd.s32 $0xFFFF3800  }
0x61: {  	[hbm4b:s1+s2] =	stream.linear.scatter [tilespmem:s2], [sflag:$0x3], $0xC800, $0x38;
	[tilespmem:$0x19000] =	vst v63  }
0x62: {  	_ =	swait.ge [sflag:s8], $0xC800  }
0x63: {  	[sflag:s8] =	ssyncset.done $0x0  }
0x64: {  	s1 =	rddreg [dreg:$0x11];
	[sflag:s8] =	ssyncadd.s32 $0xFFFF3800  }
0x65: {  	[tilespmem:s12], [sflag:$0x2] =	stream.linear.gather [hbm4b:s1+s2], $0xC800, $0x38;
	[tilespmem:$0x19000] =	vst v63  }
0x66: {  	_ =	swait.ge [sflag:s14], $0xC800  }
0x67: {  	[sflag:s14] =	ssyncset.done $0x0  }
0x68: {  	s1 =	rddreg [dreg:$0x12];
	[sflag:s14] =	ssyncadd.s32 $0xFFFF3800  }
0x69: {  	[hbm4b:s1+s2] =	stream.linear.scatter [tilespmem:s12], [sflag:$0x4], $0xC800, $0x38;
	[tilespmem:$0x19000] =	vst v63  }
0x6a: {  	_ =	swait.ge [sflag:s4], $0xC800  }
0x6b: {  	[sflag:s4] =	ssyncset.done $0x0  }
0x6c: {  	s1 =	rddreg [dreg:$0x13];
	[sflag:s4] =	ssyncadd.s32 $0xFFFF3800  }
0x6d: {  	[tilespmem:s2], [sflag:$0x1] =	stream.linear.gather [hbm4b:s1+s2], $0xC800, $0x38;
	[tilespmem:$0x19000] =	vst v63  }
0x6e: {  	_ =	swait.ge [sflag:s7], $0xC800  }
0x6f: {  	[sflag:s7] =	ssyncset.done $0x0  }
0x70: {  	s1 =	rddreg [dreg:$0x14];
	[sflag:s7] =	ssyncadd.s32 $0xFFFF3800  }
0x71: {  	[hbm4b:s1+s2] =	stream.linear.scatter [tilespmem:s2], [sflag:$0x3], $0xC800, $0x38;
	[tilespmem:$0x19000] =	vst v63  }
0x72: {  	_ =	swait.ge [sflag:s8], $0xC800  }
0x73: {  	[sflag:s8] =	ssyncset.done $0x0  }
0x74: {  	s1 =	rddreg [dreg:$0x15];
	[sflag:s8] =	ssyncadd.s32 $0xFFFF3800  }
0x75: {  	[tilespmem:s12], [sflag:$0x2] =	stream.linear.gather [hbm4b:s1+s2], $0xC800, $0x38;
	[tilespmem:$0x19000] =	vst v63  }
0x76: {  	_ =	swait.ge [sflag:s14], $0xC800  }
0x77: {  	[sflag:s14] =	ssyncset.done $0x0  }
0x78: {  	s1 =	rddreg [dreg:$0x16];
	[sflag:s14] =	ssyncadd.s32 $0xFFFF3800  }
0x79: {  	[hbm4b:s1+s2] =	stream.linear.scatter [tilespmem:s12], [sflag:$0x4], $0xC800, $0x38;
	[tilespmem:$0x19000] =	vst v63  }
0x7a: {  	_ =	swait.ge [sflag:s4], $0xC800  }
0x7b: {  	[sflag:s4] =	ssyncset.done $0x0  }
0x7c: {  	s1 =	rddreg [dreg:$0x17];
	[sflag:s4] =	ssyncadd.s32 $0xFFFF3800  }
0x7d: {  	[tilespmem:s2], [sflag:$0x1] =	stream.linear.gather [hbm4b:s1+s2], $0xC800, $0x38;
	[tilespmem:$0x19000] =	vst v63  }
0x7e: {  	_ =	swait.ge [sflag:s7], $0xC800  }
0x7f: {  	[sflag:s7] =	ssyncset.done $0x0  }
0x80: {  	s1 =	rddreg [dreg:$0x18];
	[sflag:s7] =	ssyncadd.s32 $0xFFFF3800  }
0x81: {  	[hbm4b:s1+s2] =	stream.linear.scatter [tilespmem:s2], [sflag:$0x3], $0xC800, $0x38;
	[tilespmem:$0x19000] =	vst v63  }
0x82: {  	_ =	swait.ge [sflag:s8], $0xC800  }
0x83: {  	[sflag:s8] =	ssyncset.done $0x0  }
0x84: {  	s1 =	rddreg [dreg:$0x19];
	[sflag:s8] =	ssyncadd.s32 $0xFFFF3800  }
0x85: {  	[tilespmem:s12], [sflag:$0x2] =	stream.linear.gather [hbm4b:s1+s2], $0xC800, $0x38;
	[tilespmem:$0x19000] =	vst v63  }
0x86: {  	_ =	swait.ge [sflag:s14], $0xC800  }
0x87: {  	[sflag:s14] =	ssyncset.done $0x0  }
0x88: {  	s1 =	rddreg [dreg:$0x1a];
	[sflag:s14] =	ssyncadd.s32 $0xFFFF3800  }
0x89: {  	[hbm4b:s1+s2] =	stream.linear.scatter [tilespmem:s12], [sflag:$0x4], $0xC800, $0x38;
	[tilespmem:$0x19000] =	vst v63  }
0x8a: {  	_ =	swait.ge [sflag:s4], $0xC800  }
0x8b: {  	[sflag:s4] =	ssyncset.done $0x0  }
0x8c: {  	s1 =	rddreg [dreg:$0x1b];
	[sflag:s4] =	ssyncadd.s32 $0xFFFF3800  }
0x8d: {  	[tilespmem:s2], [sflag:$0x1] =	stream.linear.gather [hbm4b:s1+s2], $0xC800, $0x38;
	[tilespmem:$0x19000] =	vst v63  }
0x8e: {  	_ =	swait.ge [sflag:s7], $0xC800  }
0x8f: {  	[sflag:s7] =	ssyncset.done $0x0  }
0x90: {  	s1 =	rddreg [dreg:$0x1c];
	[sflag:s7] =	ssyncadd.s32 $0xFFFF3800  }
0x91: {  	[hbm4b:s1+s2] =	stream.linear.scatter [tilespmem:s2], [sflag:$0x3], $0xC800, $0x38;
	[tilespmem:$0x19000] =	vst v63  }
0x92: {  	_ =	swait.ge [sflag:s8], $0xC800  }
0x93: {  	[sflag:s8] =	ssyncset.done $0x0  }
0x94: {  	s1 =	rddreg [dreg:$0x1d];
	[sflag:s8] =	ssyncadd.s32 $0xFFFF3800  }
0x95: {  	[tilespmem:s12], [sflag:$0x2] =	stream.linear.gather [hbm4b:s1+s2], $0xC800, $0x38;
	[tilespmem:$0x19000] =	vst v63  }
0x96: {  	_ =	swait.ge [sflag:s14], $0xC800  }
0x97: {  	[sflag:s14] =	ssyncset.done $0x0  }
0x98: {  	[sflag:s14] =	ssyncadd.s32 $0xFFFF3800  }
0x99: {  	[hbm4b:s31+s2] =	stream.linear.scatter [tilespmem:s12], [sflag:$0x4], $0xC800, $0x38;
	[tilespmem:$0x19000] =	vst v63  }
0x9a: {  	_ =	swait.ge [sflag:s4], $0xC800  }
0x9b: {  	[sflag:s4] =	ssyncset.done $0x0  }
0x9c: {  	[sflag:s4] =	ssyncadd.s32 $0xFFFF3800  }
0x9d: {  	[tilespmem:s2], [sflag:$0x1] =	stream.linear.gather [hbm4b:s30+s2], $0xC800, $0x38;
	[tilespmem:$0x19000] =	vst v63  }
0x9e: {  	_ =	swait.ge [sflag:s7], $0xC800  }
0x9f: {  	[sflag:s7] =	ssyncset.done $0x0  }
0xa0: {  	[sflag:s7] =	ssyncadd.s32 $0xFFFF3800  }
0xa1: {  	[hbm4b:s29+s2] =	stream.linear.scatter [tilespmem:s2], [sflag:$0x3], $0xC800, $0x38;
	[tilespmem:$0x19000] =	vst v63  }
0xa2: {  	_ =	swait.ge [sflag:s8], $0xC800  }
0xa3: {  	[sflag:s8] =	ssyncset.done $0x0  }
0xa4: {  	[sflag:s8] =	ssyncadd.s32 $0xFFFF3800  }
0xa5: {  	[tilespmem:s12], [sflag:$0x2] =	stream.linear.gather [hbm4b:s28+s2], $0xC800, $0x38;
	[tilespmem:$0x19000] =	vst v63  }
0xa6: {  	_ =	swait.ge [sflag:s14], $0xC800  }
0xa7: {  	[sflag:s14] =	ssyncset.done $0x0  }
0xa8: {  	[sflag:s14] =	ssyncadd.s32 $0xFFFF3800  }
0xa9: {  	[hbm4b:s26+s2] =	stream.linear.scatter [tilespmem:s12], [sflag:$0x4], $0xC800, $0x38;
	[tilespmem:$0x19000] =	vst v63  }
0xaa: {  	_ =	swait.ge [sflag:s4], $0xC800  }
0xab: {  	[sflag:s4] =	ssyncset.done $0x0  }
0xac: {  	[sflag:s4] =	ssyncadd.s32 $0xFFFF3800  }
0xad: {  	[tilespmem:s2], [sflag:$0x1] =	stream.linear.gather [hbm4b:s25+s2], $0xC800, $0x38;
	[tilespmem:$0x19000] =	vst v63  }
0xae: {  	_ =	swait.ge [sflag:s7], $0xC800  }
0xaf: {  	[sflag:s7] =	ssyncset.done $0x0  }
0xb0: {  	[sflag:s7] =	ssyncadd.s32 $0xFFFF3800  }
0xb1: {  	[hbm4b:s24+s2] =	stream.linear.scatter [tilespmem:s2], [sflag:$0x3], $0xC800, $0x38;
	[tilespmem:$0x19000] =	vst v63  }
0xb2: {  	_ =	swait.ge [sflag:s8], $0xC800  }
0xb3: {  	[sflag:s8] =	ssyncset.done $0x0  }
0xb4: {  	[sflag:s8] =	ssyncadd.s32 $0xFFFF3800  }
0xb5: {  	[tilespmem:s12], [sflag:$0x2] =	stream.linear.gather [hbm4b:s23+s2], $0xC800, $0x38;
	[tilespmem:$0x19000] =	vst v63  }
0xb6: {  	_ =	swait.ge [sflag:s14], $0xC800  }
0xb7: {  	[sflag:s14] =	ssyncset.done $0x0  }
0xb8: {  	[sflag:s14] =	ssyncadd.s32 $0xFFFF3800  }
0xb9: {  	[hbm4b:s22+s2] =	stream.linear.scatter [tilespmem:s12], [sflag:$0x4], $0xC800, $0x38;
	[tilespmem:$0x19000] =	vst v63  }
0xba: {  	_ =	swait.ge [sflag:s4], $0xC800  }
0xbb: {  	[sflag:s4] =	ssyncset.done $0x0  }
0xbc: {  	[sflag:s4] =	ssyncadd.s32 $0xFFFF3800  }
0xbd: {  	[tilespmem:s2], [sflag:$0x1] =	stream.linear.gather [hbm4b:s21+s2], $0xC800, $0x38;
	[tilespmem:$0x19000] =	vst v63  }
0xbe: {  	_ =	swait.ge [sflag:s7], $0xC800  }
0xbf: {  	[sflag:s7] =	ssyncset.done $0x0  }
0xc0: {  	[sflag:s7] =	ssyncadd.s32 $0xFFFF3800  }
0xc1: {  	[hbm4b:s20+s2] =	stream.linear.scatter [tilespmem:s2], [sflag:$0x3], $0xC800, $0x38;
	[tilespmem:$0x19000] =	vst v63  }
0xc2: {  	_ =	swait.ge [sflag:s8], $0xC800  }
0xc3: {  	[sflag:s8] =	ssyncset.done $0x0  }
0xc4: {  	[sflag:s8] =	ssyncadd.s32 $0xFFFF3800  }
0xc5: {  	[tilespmem:s12], [sflag:$0x2] =	stream.linear.gather [hbm4b:s19+s2], $0xC800, $0x38;
	[tilespmem:$0x19000] =	vst v63  }
0xc6: {  	_ =	swait.ge [sflag:s14], $0xC800  }
0xc7: {  	[sflag:s14] =	ssyncset.done $0x0  }
0xc8: {  	[sflag:s14] =	ssyncadd.s32 $0xFFFF3800  }
0xc9: {  	[hbm4b:s18+s2] =	stream.linear.scatter [tilespmem:s12], [sflag:$0x4], $0xC800, $0x38;
	[tilespmem:$0x19000] =	vst v63  }
0xca: {  	_ =	swait.ge [sflag:s4], $0xC800  }
0xcb: {  	[sflag:s4] =	ssyncset.done $0x0  }
0xcc: {  	[sflag:s4] =	ssyncadd.s32 $0xFFFF3800  }
0xcd: {  	[tilespmem:s2], [sflag:$0x1] =	stream.linear.gather [hbm4b:s17+s2], $0xC800, $0x38;
	[tilespmem:$0x19000] =	vst v63  }
0xce: {  	_ =	swait.ge [sflag:s7], $0xC800  }
0xcf: {  	[sflag:s7] =	ssyncset.done $0x0  }
0xd0: {  	[sflag:s7] =	ssyncadd.s32 $0xFFFF3800  }
0xd1: {  	[hbm4b:s16+s2] =	stream.linear.scatter [tilespmem:s2], [sflag:$0x3], $0xC800, $0x38;
	[tilespmem:$0x19000] =	vst v63  }
0xd2: {  	_ =	swait.ge [sflag:s8], $0xC800  }
0xd3: {  	[sflag:s8] =	ssyncset.done $0x0  }
0xd4: {  	[sflag:s8] =	ssyncadd.s32 $0xFFFF3800  }
0xd5: {  	[tilespmem:s12], [sflag:$0x2] =	stream.linear.gather [hbm4b:s15+s2], $0xC800, $0x38;
	[tilespmem:$0x19000] =	vst v63  }
0xd6: {  	_ =	swait.ge [sflag:s14], $0xC800  }
0xd7: {  	[sflag:s14] =	ssyncset.done $0x0  }
0xd8: {  	[sflag:s14] =	ssyncadd.s32 $0xFFFF3800  }
0xd9: {  	[hbm4b:s13+s2] =	stream.linear.scatter [tilespmem:s12], [sflag:$0x4], $0xC800, $0x38;
	[tilespmem:$0x19000] =	vst v63  }
0xda: {  	_ =	swait.ge [sflag:s4], $0xC800  }
0xdb: {  	[sflag:s4] =	ssyncset.done $0x0  }
0xdc: {  	[sflag:s4] =	ssyncadd.s32 $0xFFFF3800  }
0xdd: {  	[tilespmem:s2], [sflag:$0x1] =	stream.linear.gather [hbm4b:s11+s2], $0xC800, $0x38;
	[tilespmem:$0x19000] =	vst v63  }
0xde: {  	_ =	swait.ge [sflag:s7], $0xC800  }
0xdf: {  	[sflag:s7] =	ssyncset.done $0x0  }
0xe0: {  	[sflag:s7] =	ssyncadd.s32 $0xFFFF3800  }
0xe1: {  	[hbm4b:s10+s2] =	stream.linear.scatter [tilespmem:s2], [sflag:$0x3], $0xC800, $0x38;
	[tilespmem:$0x19000] =	vst v63  }
0xe2: {  	_ =	swait.ge [sflag:s8], $0xC800  }
0xe3: {  	[sflag:s8] =	ssyncset.done $0x0  }
0xe4: {  	[sflag:s8] =	ssyncadd.s32 $0xFFFF3800  }
0xe5: {  	[tilespmem:s12], [sflag:$0x2] =	stream.linear.gather [hbm4b:s9+s2], $0xC800, $0x38;
	[tilespmem:$0x19000] =	vst v63  }
0xe6: {  	_ =	swait.ge [sflag:s14], $0xC800  }
0xe7: {  	[sflag:s14] =	ssyncset.done $0x0  }
0xe8: {  	[sflag:s14] =	ssyncadd.s32 $0xFFFF3800  }
0xe9: {  	[hbm4b:s6+s2] =	stream.linear.scatter [tilespmem:s12], [sflag:$0x4], $0xC800, $0x38;
	[tilespmem:$0x19000] =	vst v63  }
0xea: {  	_ =	swait.ge [sflag:s4], $0xC800  }
0xeb: {  	[sflag:s4] =	ssyncset.done $0x0  }
0xec: {  	[sflag:s4] =	ssyncadd.s32 $0xFFFF3800  }
0xed: {  	[tilespmem:s2], [sflag:$0x1] =	stream.linear.gather [hbm4b:s5+s2], $0xC800, $0x38;
	[tilespmem:$0x19000] =	vst v63  }
0xee: {  	_ =	swait.ge [sflag:s7], $0xC800  }
0xef: {  	[sflag:s7] =	ssyncset.done $0x0  }
0xf0: {  	[sflag:s7] =	ssyncadd.s32 $0xFFFF3800  }
0xf1: {  	[hbm4b:s3+s2] =	stream.linear.scatter [tilespmem:s2], [sflag:$0x3], $0xC800, $0x38;
	[tilespmem:$0x19000] =	vst v63  }
0xf2: {  	_ =	swait.ge [sflag:s8], $0xC800  }
0xf3: {  	s1 =	rddreg [dreg:$0x1e]  }
0xf4: {  	p1 =	sne.s32 s1, $0x1  }
.Ltmp1:
0xf5: {  	_ = 	snop;
	(pc) =	sbr.rel @!p1 .LBB2_3-.Ltmp1, $4  }
0xf6: {  	[sflag:s8] =	ssyncset.done $0x0  }
0xf7: {  	[sflag:s8] =	ssyncadd.s32 $0xFFFF3800  }
0xf8: {  	p0 =	por $0x1, $0x1;
	_ =	swait.ge [sflag:s4], $0xC800  }
0xf9: {  	s1 =	sadd.s32 $0xFFFFFFFF, s1;
	s0 =	rddreg [dreg:$0x3];
	[sflag:s4] =	ssyncset.done $0x0  }
.LBB2_2:
0xfa: {  	[sflag:s4] =	ssyncadd.s32 $0xFFFF3800;
	s8 =	simm.s32 $0xC800;
	s12 =	smov.u32 s31  }
0xfb: {  	s31 =	smov.u32 s30;
	s30 =	smov.u32 s29;
	s29 =	smov.u32 s28  }
0xfc: {  	s28 =	smov.u32 s26;
	s26 =	smov.u32 s25;
	s25 =	smov.u32 s24  }
0xfd: {  	s24 =	smov.u32 s23;
	s23 =	smov.u32 s22;
	s22 =	smov.u32 s21  }
0xfe: {  	s21 =	smov.u32 s20;
	s20 =	smov.u32 s19;
	s19 =	smov.u32 s18  }
0xff: {  	s18 =	smov.u32 s17;
	s17 =	smov.u32 s16;
	s16 =	smov.u32 s15  }
0x100: {  	[tilespmem:s2], [sflag:$0x1] =	stream.linear.gather [hbm4b:s0+s2], $0xC800, $0x38;
	[tilespmem:$0x19000] =	vst v63  }
0x101: {  	s15 =	smov.u32 s13;
	s13 =	smov.u32 s11;
	_ =	swait.ge [sflag:s7], $0xC800  }
0x102: {  	s11 =	smov.u32 s10;
	s10 =	smov.u32 s9;
	[sflag:s7] =	ssyncset.done $0x0  }
0x103: {  	s9 =	smov.u32 s6;
	s0 =	rddreg [dreg:$0x4];
	[sflag:s7] =	ssyncadd.s32 $0xFFFF3800  }
0x104: {  	[hbm4b:s0+s2] =	stream.linear.scatter [tilespmem:s2], [sflag:$0x3], $0xC800, $0x38;
	[tilespmem:$0x19000] =	vst v63  }
0x105: {  	s6 =	smov.u32 s5;
	s5 =	smov.u32 s3;
	s3 =	rddreg [dreg:$0x5]  }
0x106: {  	[tilespmem:s8], [sflag:$0x2] =	stream.linear.gather [hbm4b:s3+s2], $0xC800, $0x38;
	[tilespmem:$0x19000] =	vst v63  }
0x107: {  	s3 =	smov.u32 s5  }
0x108: {  	s5 =	smov.u32 s6;
	s6 =	smov.u32 s9;
	s9 =	smov.u32 s10  }
0x109: {  	s10 =	smov.u32 s11;
	s11 =	smov.u32 s13;
	s13 =	smov.u32 s15  }
0x10a: {  	s15 =	smov.u32 s16;
	s16 =	smov.u32 s17;
	s17 =	smov.u32 s18  }
0x10b: {  	s18 =	smov.u32 s19;
	s19 =	smov.u32 s20;
	s20 =	smov.u32 s21  }
0x10c: {  	s21 =	smov.u32 s22;
	s22 =	smov.u32 s23;
	s23 =	smov.u32 s24  }
0x10d: {  	s24 =	smov.u32 s25;
	s25 =	smov.u32 s26;
	s26 =	smov.u32 s28  }
0x10e: {  	s28 =	smov.u32 s29;
	s29 =	smov.u32 s30;
	_ =	swait.ge [sflag:s14], $0xC800  }
0x10f: {  	s30 =	smov.u32 s31;
	s31 =	smov.u32 s12;
	[sflag:s14] =	ssyncset.done $0x0  }
0x110: {  	s12 =	simm.s32 $0xC800;
	s0 =	rddreg [dreg:$0x6];
	[sflag:s14] =	ssyncadd.s32 $0xFFFF3800  }
0x111: {  	[hbm4b:s0+s2] =	stream.linear.scatter [tilespmem:s12], [sflag:$0x4], $0xC800, $0x38;
	[tilespmem:$0x19000] =	vst v63  }
0x112: {  	_ =	swait.ge [sflag:s4], $0xC800  }
0x113: {  	[sflag:s4] =	ssyncset.done $0x0  }
0x114: {  	s0 =	rddreg [dreg:$0x7];
	[sflag:s4] =	ssyncadd.s32 $0xFFFF3800  }
0x115: {  	[tilespmem:s2], [sflag:$0x1] =	stream.linear.gather [hbm4b:s0+s2], $0xC800, $0x38;
	[tilespmem:$0x19000] =	vst v63  }
0x116: {  	_ =	swait.ge [sflag:s7], $0xC800  }
0x117: {  	[sflag:s7] =	ssyncset.done $0x0  }
0x118: {  	s8 =	simm.s32 $0x4;
	s0 =	rddreg [dreg:$0x8];
	[sflag:s7] =	ssyncadd.s32 $0xFFFF3800  }
0x119: {  	[hbm4b:s0+s2] =	stream.linear.scatter [tilespmem:s2], [sflag:$0x3], $0xC800, $0x38;
	[tilespmem:$0x19000] =	vst v63  }
0x11a: {  	_ =	swait.ge [sflag:s8], $0xC800  }
0x11b: {  	[sflag:s8] =	ssyncset.done $0x0  }
0x11c: {  	s0 =	rddreg [dreg:$0x9];
	[sflag:s8] =	ssyncadd.s32 $0xFFFF3800  }
0x11d: {  	[tilespmem:s12], [sflag:$0x2] =	stream.linear.gather [hbm4b:s0+s2], $0xC800, $0x38;
	[tilespmem:$0x19000] =	vst v63  }
0x11e: {  	_ =	swait.ge [sflag:s14], $0xC800  }
0x11f: {  	[sflag:s14] =	ssyncset.done $0x0  }
0x120: {  	s0 =	rddreg [dreg:$0xa];
	[sflag:s14] =	ssyncadd.s32 $0xFFFF3800  }
0x121: {  	[hbm4b:s0+s2] =	stream.linear.scatter [tilespmem:s12], [sflag:$0x4], $0xC800, $0x38;
	[tilespmem:$0x19000] =	vst v63  }
0x122: {  	_ =	swait.ge [sflag:s4], $0xC800  }
0x123: {  	[sflag:s4] =	ssyncset.done $0x0  }
0x124: {  	s0 =	rddreg [dreg:$0xb];
	[sflag:s4] =	ssyncadd.s32 $0xFFFF3800  }
0x125: {  	[tilespmem:s2], [sflag:$0x1] =	stream.linear.gather [hbm4b:s0+s2], $0xC800, $0x38;
	[tilespmem:$0x19000] =	vst v63  }
0x126: {  	_ =	swait.ge [sflag:s7], $0xC800  }
0x127: {  	[sflag:s7] =	ssyncset.done $0x0  }
0x128: {  	s0 =	rddreg [dreg:$0xc];
	[sflag:s7] =	ssyncadd.s32 $0xFFFF3800  }
0x129: {  	[hbm4b:s0+s2] =	stream.linear.scatter [tilespmem:s2], [sflag:$0x3], $0xC800, $0x38;
	[tilespmem:$0x19000] =	vst v63  }
0x12a: {  	_ =	swait.ge [sflag:s8], $0xC800  }
0x12b: {  	[sflag:s8] =	ssyncset.done $0x0  }
0x12c: {  	s0 =	rddreg [dreg:$0xd];
	[sflag:s8] =	ssyncadd.s32 $0xFFFF3800  }
0x12d: {  	[tilespmem:s12], [sflag:$0x2] =	stream.linear.gather [hbm4b:s0+s2], $0xC800, $0x38;
	[tilespmem:$0x19000] =	vst v63  }
0x12e: {  	_ =	swait.ge [sflag:s14], $0xC800  }
0x12f: {  	[sflag:s14] =	ssyncset.done $0x0  }
0x130: {  	s0 =	rddreg [dreg:$0xe];
	[sflag:s14] =	ssyncadd.s32 $0xFFFF3800  }
0x131: {  	[hbm4b:s0+s2] =	stream.linear.scatter [tilespmem:s12], [sflag:$0x4], $0xC800, $0x38;
	[tilespmem:$0x19000] =	vst v63  }
0x132: {  	_ =	swait.ge [sflag:s4], $0xC800  }
0x133: {  	[sflag:s4] =	ssyncset.done $0x0  }
0x134: {  	s0 =	rddreg [dreg:$0xf];
	[sflag:s4] =	ssyncadd.s32 $0xFFFF3800  }
0x135: {  	[tilespmem:s2], [sflag:$0x1] =	stream.linear.gather [hbm4b:s0+s2], $0xC800, $0x38;
	[tilespmem:$0x19000] =	vst v63  }
0x136: {  	_ =	swait.ge [sflag:s7], $0xC800  }
0x137: {  	[sflag:s7] =	ssyncset.done $0x0  }
0x138: {  	s0 =	rddreg [dreg:$0x10];
	[sflag:s7] =	ssyncadd.s32 $0xFFFF3800  }
0x139: {  	[hbm4b:s0+s2] =	stream.linear.scatter [tilespmem:s2], [sflag:$0x3], $0xC800, $0x38;
	[tilespmem:$0x19000] =	vst v63  }
0x13a: {  	_ =	swait.ge [sflag:s8], $0xC800  }
0x13b: {  	[sflag:s8] =	ssyncset.done $0x0  }
0x13c: {  	s0 =	rddreg [dreg:$0x11];
	[sflag:s8] =	ssyncadd.s32 $0xFFFF3800  }
0x13d: {  	[tilespmem:s12], [sflag:$0x2] =	stream.linear.gather [hbm4b:s0+s2], $0xC800, $0x38;
	[tilespmem:$0x19000] =	vst v63  }
0x13e: {  	_ =	swait.ge [sflag:s14], $0xC800  }
0x13f: {  	[sflag:s14] =	ssyncset.done $0x0  }
0x140: {  	s0 =	rddreg [dreg:$0x12];
	[sflag:s14] =	ssyncadd.s32 $0xFFFF3800  }
0x141: {  	[hbm4b:s0+s2] =	stream.linear.scatter [tilespmem:s12], [sflag:$0x4], $0xC800, $0x38;
	[tilespmem:$0x19000] =	vst v63  }
0x142: {  	_ =	swait.ge [sflag:s4], $0xC800  }
0x143: {  	[sflag:s4] =	ssyncset.done $0x0  }
0x144: {  	s0 =	rddreg [dreg:$0x13];
	[sflag:s4] =	ssyncadd.s32 $0xFFFF3800  }
0x145: {  	[tilespmem:s2], [sflag:$0x1] =	stream.linear.gather [hbm4b:s0+s2], $0xC800, $0x38;
	[tilespmem:$0x19000] =	vst v63  }
0x146: {  	_ =	swait.ge [sflag:s7], $0xC800  }
0x147: {  	[sflag:s7] =	ssyncset.done $0x0  }
0x148: {  	s0 =	rddreg [dreg:$0x14];
	[sflag:s7] =	ssyncadd.s32 $0xFFFF3800  }
0x149: {  	[hbm4b:s0+s2] =	stream.linear.scatter [tilespmem:s2], [sflag:$0x3], $0xC800, $0x38;
	[tilespmem:$0x19000] =	vst v63  }
0x14a: {  	_ =	swait.ge [sflag:s8], $0xC800  }
0x14b: {  	[sflag:s8] =	ssyncset.done $0x0  }
0x14c: {  	s0 =	rddreg [dreg:$0x15];
	[sflag:s8] =	ssyncadd.s32 $0xFFFF3800  }
0x14d: {  	[tilespmem:s12], [sflag:$0x2] =	stream.linear.gather [hbm4b:s0+s2], $0xC800, $0x38;
	[tilespmem:$0x19000] =	vst v63  }
0x14e: {  	_ =	swait.ge [sflag:s14], $0xC800  }
0x14f: {  	[sflag:s14] =	ssyncset.done $0x0  }
0x150: {  	s0 =	rddreg [dreg:$0x16];
	[sflag:s14] =	ssyncadd.s32 $0xFFFF3800  }
0x151: {  	[hbm4b:s0+s2] =	stream.linear.scatter [tilespmem:s12], [sflag:$0x4], $0xC800, $0x38;
	[tilespmem:$0x19000] =	vst v63  }
0x152: {  	_ =	swait.ge [sflag:s4], $0xC800  }
0x153: {  	[sflag:s4] =	ssyncset.done $0x0  }
0x154: {  	s0 =	rddreg [dreg:$0x17];
	[sflag:s4] =	ssyncadd.s32 $0xFFFF3800  }
0x155: {  	[tilespmem:s2], [sflag:$0x1] =	stream.linear.gather [hbm4b:s0+s2], $0xC800, $0x38;
	[tilespmem:$0x19000] =	vst v63  }
0x156: {  	_ =	swait.ge [sflag:s7], $0xC800  }
0x157: {  	[sflag:s7] =	ssyncset.done $0x0  }
0x158: {  	s0 =	rddreg [dreg:$0x18];
	[sflag:s7] =	ssyncadd.s32 $0xFFFF3800  }
0x159: {  	[hbm4b:s0+s2] =	stream.linear.scatter [tilespmem:s2], [sflag:$0x3], $0xC800, $0x38;
	[tilespmem:$0x19000] =	vst v63  }
0x15a: {  	_ =	swait.ge [sflag:s8], $0xC800  }
0x15b: {  	[sflag:s8] =	ssyncset.done $0x0  }
0x15c: {  	s0 =	rddreg [dreg:$0x19];
	[sflag:s8] =	ssyncadd.s32 $0xFFFF3800  }
0x15d: {  	[tilespmem:s12], [sflag:$0x2] =	stream.linear.gather [hbm4b:s0+s2], $0xC800, $0x38;
	[tilespmem:$0x19000] =	vst v63  }
0x15e: {  	_ =	swait.ge [sflag:s14], $0xC800  }
0x15f: {  	[sflag:s14] =	ssyncset.done $0x0  }
0x160: {  	s0 =	rddreg [dreg:$0x1a];
	[sflag:s14] =	ssyncadd.s32 $0xFFFF3800  }
0x161: {  	[hbm4b:s0+s2] =	stream.linear.scatter [tilespmem:s12], [sflag:$0x4], $0xC800, $0x38;
	[tilespmem:$0x19000] =	vst v63  }
0x162: {  	_ =	swait.ge [sflag:s4], $0xC800  }
0x163: {  	[sflag:s4] =	ssyncset.done $0x0  }
0x164: {  	s0 =	rddreg [dreg:$0x1b];
	[sflag:s4] =	ssyncadd.s32 $0xFFFF3800  }
0x165: {  	[tilespmem:s2], [sflag:$0x1] =	stream.linear.gather [hbm4b:s0+s2], $0xC800, $0x38;
	[tilespmem:$0x19000] =	vst v63  }
0x166: {  	_ =	swait.ge [sflag:s7], $0xC800  }
0x167: {  	[sflag:s7] =	ssyncset.done $0x0  }
0x168: {  	s0 =	rddreg [dreg:$0x1c];
	[sflag:s7] =	ssyncadd.s32 $0xFFFF3800  }
0x169: {  	[hbm4b:s0+s2] =	stream.linear.scatter [tilespmem:s2], [sflag:$0x3], $0xC800, $0x38;
	[tilespmem:$0x19000] =	vst v63  }
0x16a: {  	_ =	swait.ge [sflag:s8], $0xC800  }
0x16b: {  	[sflag:s8] =	ssyncset.done $0x0  }
0x16c: {  	s0 =	rddreg [dreg:$0x1d];
	[sflag:s8] =	ssyncadd.s32 $0xFFFF3800  }
0x16d: {  	[tilespmem:s12], [sflag:$0x2] =	stream.linear.gather [hbm4b:s0+s2], $0xC800, $0x38;
	[tilespmem:$0x19000] =	vst v63  }
0x16e: {  	_ =	swait.ge [sflag:s14], $0xC800  }
0x16f: {  	[sflag:s14] =	ssyncset.done $0x0  }
0x170: {  	[sflag:s14] =	ssyncadd.s32 $0xFFFF3800  }
0x171: {  	[hbm4b:s31+s2] =	stream.linear.scatter [tilespmem:s12], [sflag:$0x4], $0xC800, $0x38;
	[tilespmem:$0x19000] =	vst v63  }
0x172: {  	_ =	swait.ge [sflag:s4], $0xC800  }
0x173: {  	[sflag:s4] =	ssyncset.done $0x0  }
0x174: {  	[sflag:s4] =	ssyncadd.s32 $0xFFFF3800  }
0x175: {  	[tilespmem:s2], [sflag:$0x1] =	stream.linear.gather [hbm4b:s30+s2], $0xC800, $0x38;
	[tilespmem:$0x19000] =	vst v63  }
0x176: {  	_ =	swait.ge [sflag:s7], $0xC800  }
0x177: {  	[sflag:s7] =	ssyncset.done $0x0  }
0x178: {  	[sflag:s7] =	ssyncadd.s32 $0xFFFF3800  }
0x179: {  	[hbm4b:s29+s2] =	stream.linear.scatter [tilespmem:s2], [sflag:$0x3], $0xC800, $0x38;
	[tilespmem:$0x19000] =	vst v63  }
0x17a: {  	_ =	swait.ge [sflag:s8], $0xC800  }
0x17b: {  	[sflag:s8] =	ssyncset.done $0x0  }
0x17c: {  	[sflag:s8] =	ssyncadd.s32 $0xFFFF3800  }
0x17d: {  	[tilespmem:s12], [sflag:$0x2] =	stream.linear.gather [hbm4b:s28+s2], $0xC800, $0x38;
	[tilespmem:$0x19000] =	vst v63  }
0x17e: {  	_ =	swait.ge [sflag:s14], $0xC800  }
0x17f: {  	[sflag:s14] =	ssyncset.done $0x0  }
0x180: {  	[sflag:s14] =	ssyncadd.s32 $0xFFFF3800  }
0x181: {  	[hbm4b:s26+s2] =	stream.linear.scatter [tilespmem:s12], [sflag:$0x4], $0xC800, $0x38;
	[tilespmem:$0x19000] =	vst v63  }
0x182: {  	_ =	swait.ge [sflag:s4], $0xC800  }
0x183: {  	[sflag:s4] =	ssyncset.done $0x0  }
0x184: {  	[sflag:s4] =	ssyncadd.s32 $0xFFFF3800  }
0x185: {  	[tilespmem:s2], [sflag:$0x1] =	stream.linear.gather [hbm4b:s25+s2], $0xC800, $0x38;
	[tilespmem:$0x19000] =	vst v63  }
0x186: {  	_ =	swait.ge [sflag:s7], $0xC800  }
0x187: {  	[sflag:s7] =	ssyncset.done $0x0  }
0x188: {  	[sflag:s7] =	ssyncadd.s32 $0xFFFF3800  }
0x189: {  	[hbm4b:s24+s2] =	stream.linear.scatter [tilespmem:s2], [sflag:$0x3], $0xC800, $0x38;
	[tilespmem:$0x19000] =	vst v63  }
0x18a: {  	_ =	swait.ge [sflag:s8], $0xC800  }
0x18b: {  	[sflag:s8] =	ssyncset.done $0x0  }
0x18c: {  	[sflag:s8] =	ssyncadd.s32 $0xFFFF3800  }
0x18d: {  	[tilespmem:s12], [sflag:$0x2] =	stream.linear.gather [hbm4b:s23+s2], $0xC800, $0x38;
	[tilespmem:$0x19000] =	vst v63  }
0x18e: {  	_ =	swait.ge [sflag:s14], $0xC800  }
0x18f: {  	[sflag:s14] =	ssyncset.done $0x0  }
0x190: {  	[sflag:s14] =	ssyncadd.s32 $0xFFFF3800  }
0x191: {  	[hbm4b:s22+s2] =	stream.linear.scatter [tilespmem:s12], [sflag:$0x4], $0xC800, $0x38;
	[tilespmem:$0x19000] =	vst v63  }
0x192: {  	_ =	swait.ge [sflag:s4], $0xC800  }
0x193: {  	[sflag:s4] =	ssyncset.done $0x0  }
0x194: {  	[sflag:s4] =	ssyncadd.s32 $0xFFFF3800  }
0x195: {  	[tilespmem:s2], [sflag:$0x1] =	stream.linear.gather [hbm4b:s21+s2], $0xC800, $0x38;
	[tilespmem:$0x19000] =	vst v63  }
0x196: {  	_ =	swait.ge [sflag:s7], $0xC800  }
0x197: {  	[sflag:s7] =	ssyncset.done $0x0  }
0x198: {  	[sflag:s7] =	ssyncadd.s32 $0xFFFF3800  }
0x199: {  	[hbm4b:s20+s2] =	stream.linear.scatter [tilespmem:s2], [sflag:$0x3], $0xC800, $0x38;
	[tilespmem:$0x19000] =	vst v63  }
0x19a: {  	_ =	swait.ge [sflag:s8], $0xC800  }
0x19b: {  	[sflag:s8] =	ssyncset.done $0x0  }
0x19c: {  	[sflag:s8] =	ssyncadd.s32 $0xFFFF3800  }
0x19d: {  	[tilespmem:s12], [sflag:$0x2] =	stream.linear.gather [hbm4b:s19+s2], $0xC800, $0x38;
	[tilespmem:$0x19000] =	vst v63  }
0x19e: {  	_ =	swait.ge [sflag:s14], $0xC800  }
0x19f: {  	[sflag:s14] =	ssyncset.done $0x0  }
0x1a0: {  	[sflag:s14] =	ssyncadd.s32 $0xFFFF3800  }
0x1a1: {  	[hbm4b:s18+s2] =	stream.linear.scatter [tilespmem:s12], [sflag:$0x4], $0xC800, $0x38;
	[tilespmem:$0x19000] =	vst v63  }
0x1a2: {  	_ =	swait.ge [sflag:s4], $0xC800  }
0x1a3: {  	[sflag:s4] =	ssyncset.done $0x0  }
0x1a4: {  	[sflag:s4] =	ssyncadd.s32 $0xFFFF3800  }
0x1a5: {  	[tilespmem:s2], [sflag:$0x1] =	stream.linear.gather [hbm4b:s17+s2], $0xC800, $0x38;
	[tilespmem:$0x19000] =	vst v63  }
0x1a6: {  	_ =	swait.ge [sflag:s7], $0xC800  }
0x1a7: {  	[sflag:s7] =	ssyncset.done $0x0  }
0x1a8: {  	[sflag:s7] =	ssyncadd.s32 $0xFFFF3800  }
0x1a9: {  	[hbm4b:s16+s2] =	stream.linear.scatter [tilespmem:s2], [sflag:$0x3], $0xC800, $0x38;
	[tilespmem:$0x19000] =	vst v63  }
0x1aa: {  	_ =	swait.ge [sflag:s8], $0xC800  }
0x1ab: {  	[sflag:s8] =	ssyncset.done $0x0  }
0x1ac: {  	[sflag:s8] =	ssyncadd.s32 $0xFFFF3800  }
0x1ad: {  	[tilespmem:s12], [sflag:$0x2] =	stream.linear.gather [hbm4b:s15+s2], $0xC800, $0x38;
	[tilespmem:$0x19000] =	vst v63  }
0x1ae: {  	_ =	swait.ge [sflag:s14], $0xC800  }
0x1af: {  	[sflag:s14] =	ssyncset.done $0x0  }
0x1b0: {  	[sflag:s14] =	ssyncadd.s32 $0xFFFF3800  }
0x1b1: {  	[hbm4b:s13+s2] =	stream.linear.scatter [tilespmem:s12], [sflag:$0x4], $0xC800, $0x38;
	[tilespmem:$0x19000] =	vst v63  }
0x1b2: {  	_ =	swait.ge [sflag:s4], $0xC800  }
0x1b3: {  	[sflag:s4] =	ssyncset.done $0x0  }
0x1b4: {  	[sflag:s4] =	ssyncadd.s32 $0xFFFF3800  }
0x1b5: {  	[tilespmem:s2], [sflag:$0x1] =	stream.linear.gather [hbm4b:s11+s2], $0xC800, $0x38;
	[tilespmem:$0x19000] =	vst v63  }
0x1b6: {  	_ =	swait.ge [sflag:s7], $0xC800  }
0x1b7: {  	[sflag:s7] =	ssyncset.done $0x0  }
0x1b8: {  	[sflag:s7] =	ssyncadd.s32 $0xFFFF3800  }
0x1b9: {  	[hbm4b:s10+s2] =	stream.linear.scatter [tilespmem:s2], [sflag:$0x3], $0xC800, $0x38;
	[tilespmem:$0x19000] =	vst v63  }
0x1ba: {  	_ =	swait.ge [sflag:s8], $0xC800  }
0x1bb: {  	[sflag:s8] =	ssyncset.done $0x0  }
0x1bc: {  	[sflag:s8] =	ssyncadd.s32 $0xFFFF3800  }
0x1bd: {  	[tilespmem:s12], [sflag:$0x2] =	stream.linear.gather [hbm4b:s9+s2], $0xC800, $0x38;
	[tilespmem:$0x19000] =	vst v63  }
0x1be: {  	_ =	swait.ge [sflag:s14], $0xC800  }
0x1bf: {  	[sflag:s14] =	ssyncset.done $0x0  }
0x1c0: {  	[sflag:s14] =	ssyncadd.s32 $0xFFFF3800  }
0x1c1: {  	[hbm4b:s6+s2] =	stream.linear.scatter [tilespmem:s12], [sflag:$0x4], $0xC800, $0x38;
	[tilespmem:$0x19000] =	vst v63  }
0x1c2: {  	_ =	swait.ge [sflag:s4], $0xC800  }
0x1c3: {  	[sflag:s4] =	ssyncset.done $0x0  }
0x1c4: {  	[sflag:s4] =	ssyncadd.s32 $0xFFFF3800  }
0x1c5: {  	[tilespmem:s2], [sflag:$0x1] =	stream.linear.gather [hbm4b:s5+s2], $0xC800, $0x38;
	[tilespmem:$0x19000] =	vst v63  }
0x1c6: {  	_ =	swait.ge [sflag:s7], $0xC800  }
0x1c7: {  	[sflag:s7] =	ssyncset.done $0x0  }
0x1c8: {  	p1 =	sne.s32 s1, $0x1;
	[sflag:s7] =	ssyncadd.s32 $0xFFFF3800  }
0x1c9: {  	[hbm4b:s3+s2] =	stream.linear.scatter [tilespmem:s2], [sflag:$0x3], $0xC800, $0x38;
	[tilespmem:$0x19000] =	vst v63  }
.Ltmp2:
0x1ca: {  	_ =	swait.ge [sflag:s8], $0xC800;
	(pc) =	sbr.rel @p1 .LBB2_2-.Ltmp2, $4  }
0x1cb: {  	[sflag:s8] =	ssyncset.done $0x0  }
0x1cc: {  	[sflag:s8] =	ssyncadd.s32 $0xFFFF3800  }
0x1cd: {  	_ =	swait.ge [sflag:s4], $0xC800  }
0x1ce: {  	s1 =	sadd.s32 $0xFFFFFFFF, s1;
	s0 =	rddreg [dreg:$0x3];
	[sflag:s4] =	ssyncset.done $0x0  }
.LBB2_3:
0x1cf: {  	[sflag:s4] =	ssyncadd.s32 @p0 $0xFFFF3800  }
0x1d0: {  	[tilespmem:s2], [sflag:$0x1] =	stream.linear.gather [hbm4b:s0+s2], $0xC800, $0x38;
	[tilespmem:$0x19000] =	vst v63  }
0x1d1: {  	_ =	swait.ge [sflag:s7], $0xC800  }
0x1d2: {  	[sflag:s7] =	ssyncset.done $0x0  }
0x1d3: {  	s0 =	rddreg [dreg:$0x4];
	[sflag:s7] =	ssyncadd.s32 $0xFFFF3800  }
0x1d4: {  	[hbm4b:s0+s2] =	stream.linear.scatter [tilespmem:s2], [sflag:$0x3], $0xC800, $0x38;
	[tilespmem:$0x19000] =	vst v63  }
0x1d5: {  	s1 =	rddreg [dreg:$0x5]  }
0x1d6: {  	[tilespmem:s12], [sflag:$0x2] =	stream.linear.gather [hbm4b:s1+s2], $0xC800, $0x38;
	[tilespmem:$0x19000] =	vst v63  }
0x1d7: {  	_ =	swait.ge [sflag:s14], $0xC800  }
0x1d8: {  	[sflag:s14] =	ssyncset.done $0x0  }
0x1d9: {  	s1 =	rddreg [dreg:$0x6];
	[sflag:s14] =	ssyncadd.s32 $0xFFFF3800  }
0x1da: {  	[hbm4b:s1+s2] =	stream.linear.scatter [tilespmem:s12], [sflag:$0x4], $0xC800, $0x38;
	[tilespmem:$0x19000] =	vst v63  }
0x1db: {  	_ =	swait.ge [sflag:s4], $0xC800  }
0x1dc: {  	[sflag:s4] =	ssyncset.done $0x0  }
0x1dd: {  	s1 =	rddreg [dreg:$0x7];
	[sflag:s4] =	ssyncadd.s32 $0xFFFF3800  }
0x1de: {  	[tilespmem:s2], [sflag:$0x1] =	stream.linear.gather [hbm4b:s1+s2], $0xC800, $0x38;
	[tilespmem:$0x19000] =	vst v63  }
0x1df: {  	_ =	swait.ge [sflag:s7], $0xC800  }
0x1e0: {  	[sflag:s7] =	ssyncset.done $0x0  }
0x1e1: {  	s1 =	rddreg [dreg:$0x8];
	[sflag:s7] =	ssyncadd.s32 $0xFFFF3800  }
0x1e2: {  	[hbm4b:s1+s2] =	stream.linear.scatter [tilespmem:s2], [sflag:$0x3], $0xC800, $0x38;
	[tilespmem:$0x19000] =	vst v63  }
0x1e3: {  	_ =	swait.ge [sflag:s8], $0xC800  }
0x1e4: {  	[sflag:s8] =	ssyncset.done $0x0  }
0x1e5: {  	s1 =	rddreg [dreg:$0x9];
	[sflag:s8] =	ssyncadd.s32 $0xFFFF3800  }
0x1e6: {  	[tilespmem:s12], [sflag:$0x2] =	stream.linear.gather [hbm4b:s1+s2], $0xC800, $0x38;
	[tilespmem:$0x19000] =	vst v63  }
0x1e7: {  	_ =	swait.ge [sflag:s14], $0xC800  }
0x1e8: {  	[sflag:s14] =	ssyncset.done $0x0  }
0x1e9: {  	s1 =	rddreg [dreg:$0xa];
	[sflag:s14] =	ssyncadd.s32 $0xFFFF3800  }
0x1ea: {  	[hbm4b:s1+s2] =	stream.linear.scatter [tilespmem:s12], [sflag:$0x4], $0xC800, $0x38;
	[tilespmem:$0x19000] =	vst v63  }
0x1eb: {  	_ =	swait.ge [sflag:s4], $0xC800  }
0x1ec: {  	[sflag:s4] =	ssyncset.done $0x0  }
0x1ed: {  	s1 =	rddreg [dreg:$0xb];
	[sflag:s4] =	ssyncadd.s32 $0xFFFF3800  }
0x1ee: {  	[tilespmem:s2], [sflag:$0x1] =	stream.linear.gather [hbm4b:s1+s2], $0xC800, $0x38;
	[tilespmem:$0x19000] =	vst v63  }
0x1ef: {  	_ =	swait.ge [sflag:s7], $0xC800  }
0x1f0: {  	[sflag:s7] =	ssyncset.done $0x0  }
0x1f1: {  	s1 =	rddreg [dreg:$0xc];
	[sflag:s7] =	ssyncadd.s32 $0xFFFF3800  }
0x1f2: {  	[hbm4b:s1+s2] =	stream.linear.scatter [tilespmem:s2], [sflag:$0x3], $0xC800, $0x38;
	[tilespmem:$0x19000] =	vst v63  }
0x1f3: {  	_ =	swait.ge [sflag:s8], $0xC800  }
0x1f4: {  	[sflag:s8] =	ssyncset.done $0x0  }
0x1f5: {  	s1 =	rddreg [dreg:$0xd];
	[sflag:s8] =	ssyncadd.s32 $0xFFFF3800  }
0x1f6: {  	[tilespmem:s12], [sflag:$0x2] =	stream.linear.gather [hbm4b:s1+s2], $0xC800, $0x38;
	[tilespmem:$0x19000] =	vst v63  }
0x1f7: {  	_ =	swait.ge [sflag:s14], $0xC800  }
0x1f8: {  	[sflag:s14] =	ssyncset.done $0x0  }
0x1f9: {  	s1 =	rddreg [dreg:$0xe];
	[sflag:s14] =	ssyncadd.s32 $0xFFFF3800  }
0x1fa: {  	[hbm4b:s1+s2] =	stream.linear.scatter [tilespmem:s12], [sflag:$0x4], $0xC800, $0x38;
	[tilespmem:$0x19000] =	vst v63  }
0x1fb: {  	_ =	swait.ge [sflag:s4], $0xC800  }
0x1fc: {  	[sflag:s4] =	ssyncset.done $0x0  }
0x1fd: {  	s1 =	rddreg [dreg:$0xf];
	[sflag:s4] =	ssyncadd.s32 $0xFFFF3800  }
0x1fe: {  	[tilespmem:s2], [sflag:$0x1] =	stream.linear.gather [hbm4b:s1+s2], $0xC800, $0x38;
	[tilespmem:$0x19000] =	vst v63  }
0x1ff: {  	_ =	swait.ge [sflag:s7], $0xC800  }
0x200: {  	[sflag:s7] =	ssyncset.done $0x0  }
0x201: {  	s1 =	rddreg [dreg:$0x10];
	[sflag:s7] =	ssyncadd.s32 $0xFFFF3800  }
0x202: {  	[hbm4b:s1+s2] =	stream.linear.scatter [tilespmem:s2], [sflag:$0x3], $0xC800, $0x38;
	[tilespmem:$0x19000] =	vst v63  }
0x203: {  	_ =	swait.ge [sflag:s8], $0xC800  }
0x204: {  	[sflag:s8] =	ssyncset.done $0x0  }
0x205: {  	s1 =	rddreg [dreg:$0x11];
	[sflag:s8] =	ssyncadd.s32 $0xFFFF3800  }
0x206: {  	[tilespmem:s12], [sflag:$0x2] =	stream.linear.gather [hbm4b:s1+s2], $0xC800, $0x38;
	[tilespmem:$0x19000] =	vst v63  }
0x207: {  	_ =	swait.ge [sflag:s14], $0xC800  }
0x208: {  	[sflag:s14] =	ssyncset.done $0x0  }
0x209: {  	s1 =	rddreg [dreg:$0x12];
	[sflag:s14] =	ssyncadd.s32 $0xFFFF3800  }
0x20a: {  	[hbm4b:s1+s2] =	stream.linear.scatter [tilespmem:s12], [sflag:$0x4], $0xC800, $0x38;
	[tilespmem:$0x19000] =	vst v63  }
0x20b: {  	_ =	swait.ge [sflag:s4], $0xC800  }
0x20c: {  	[sflag:s4] =	ssyncset.done $0x0  }
0x20d: {  	s1 =	rddreg [dreg:$0x13];
	[sflag:s4] =	ssyncadd.s32 $0xFFFF3800  }
0x20e: {  	[tilespmem:s2], [sflag:$0x1] =	stream.linear.gather [hbm4b:s1+s2], $0xC800, $0x38;
	[tilespmem:$0x19000] =	vst v63  }
0x20f: {  	_ =	swait.ge [sflag:s7], $0xC800  }
0x210: {  	[sflag:s7] =	ssyncset.done $0x0  }
0x211: {  	s1 =	rddreg [dreg:$0x14];
	[sflag:s7] =	ssyncadd.s32 $0xFFFF3800  }
0x212: {  	[hbm4b:s1+s2] =	stream.linear.scatter [tilespmem:s2], [sflag:$0x3], $0xC800, $0x38;
	[tilespmem:$0x19000] =	vst v63  }
0x213: {  	_ =	swait.ge [sflag:s8], $0xC800  }
0x214: {  	[sflag:s8] =	ssyncset.done $0x0  }
0x215: {  	s1 =	rddreg [dreg:$0x15];
	[sflag:s8] =	ssyncadd.s32 $0xFFFF3800  }
0x216: {  	[tilespmem:s12], [sflag:$0x2] =	stream.linear.gather [hbm4b:s1+s2], $0xC800, $0x38;
	[tilespmem:$0x19000] =	vst v63  }
0x217: {  	_ =	swait.ge [sflag:s14], $0xC800  }
0x218: {  	[sflag:s14] =	ssyncset.done $0x0  }
0x219: {  	s1 =	rddreg [dreg:$0x16];
	[sflag:s14] =	ssyncadd.s32 $0xFFFF3800  }
0x21a: {  	[hbm4b:s1+s2] =	stream.linear.scatter [tilespmem:s12], [sflag:$0x4], $0xC800, $0x38;
	[tilespmem:$0x19000] =	vst v63  }
0x21b: {  	_ =	swait.ge [sflag:s4], $0xC800  }
0x21c: {  	[sflag:s4] =	ssyncset.done $0x0  }
0x21d: {  	s1 =	rddreg [dreg:$0x17];
	[sflag:s4] =	ssyncadd.s32 $0xFFFF3800  }
0x21e: {  	[tilespmem:s2], [sflag:$0x1] =	stream.linear.gather [hbm4b:s1+s2], $0xC800, $0x38;
	[tilespmem:$0x19000] =	vst v63  }
0x21f: {  	_ =	swait.ge [sflag:s7], $0xC800  }
0x220: {  	[sflag:s7] =	ssyncset.done $0x0  }
0x221: {  	s1 =	rddreg [dreg:$0x18];
	[sflag:s7] =	ssyncadd.s32 $0xFFFF3800  }
0x222: {  	[hbm4b:s1+s2] =	stream.linear.scatter [tilespmem:s2], [sflag:$0x3], $0xC800, $0x38;
	[tilespmem:$0x19000] =	vst v63  }
0x223: {  	_ =	swait.ge [sflag:s8], $0xC800  }
0x224: {  	[sflag:s8] =	ssyncset.done $0x0  }
0x225: {  	s1 =	rddreg [dreg:$0x19];
	[sflag:s8] =	ssyncadd.s32 $0xFFFF3800  }
0x226: {  	[tilespmem:s12], [sflag:$0x2] =	stream.linear.gather [hbm4b:s1+s2], $0xC800, $0x38;
	[tilespmem:$0x19000] =	vst v63  }
0x227: {  	_ =	swait.ge [sflag:s14], $0xC800  }
0x228: {  	[sflag:s14] =	ssyncset.done $0x0  }
0x229: {  	s1 =	rddreg [dreg:$0x1a];
	[sflag:s14] =	ssyncadd.s32 $0xFFFF3800  }
0x22a: {  	[hbm4b:s1+s2] =	stream.linear.scatter [tilespmem:s12], [sflag:$0x4], $0xC800, $0x38;
	[tilespmem:$0x19000] =	vst v63  }
0x22b: {  	_ =	swait.ge [sflag:s4], $0xC800  }
0x22c: {  	[sflag:s4] =	ssyncset.done $0x0  }
0x22d: {  	s1 =	rddreg [dreg:$0x1b];
	[sflag:s4] =	ssyncadd.s32 $0xFFFF3800  }
0x22e: {  	[tilespmem:s2], [sflag:$0x1] =	stream.linear.gather [hbm4b:s1+s2], $0xC800, $0x38;
	[tilespmem:$0x19000] =	vst v63  }
0x22f: {  	_ =	swait.ge [sflag:s7], $0xC800  }
0x230: {  	[sflag:s7] =	ssyncset.done $0x0  }
0x231: {  	s1 =	rddreg [dreg:$0x1c];
	[sflag:s7] =	ssyncadd.s32 $0xFFFF3800  }
0x232: {  	[hbm4b:s1+s2] =	stream.linear.scatter [tilespmem:s2], [sflag:$0x3], $0xC800, $0x38;
	[tilespmem:$0x19000] =	vst v63  }
0x233: {  	_ =	swait.ge [sflag:s8], $0xC800  }
0x234: {  	[sflag:s8] =	ssyncset.done $0x0  }
0x235: {  	s1 =	rddreg [dreg:$0x1d];
	[sflag:s8] =	ssyncadd.s32 $0xFFFF3800  }
0x236: {  	[tilespmem:s12], [sflag:$0x2] =	stream.linear.gather [hbm4b:s1+s2], $0xC800, $0x38;
	[tilespmem:$0x19000] =	vst v63  }
0x237: {  	_ =	swait.ge [sflag:s14], $0xC800  }
0x238: {  	[sflag:s14] =	ssyncset.done $0x0  }
0x239: {  	[sflag:s14] =	ssyncadd.s32 $0xFFFF3800  }
0x23a: {  	[hbm4b:s31+s2] =	stream.linear.scatter [tilespmem:s12], [sflag:$0x4], $0xC800, $0x38;
	[tilespmem:$0x19000] =	vst v63  }
0x23b: {  	_ =	swait.ge [sflag:s4], $0xC800  }
0x23c: {  	[sflag:s4] =	ssyncset.done $0x0  }
0x23d: {  	[sflag:s4] =	ssyncadd.s32 $0xFFFF3800  }
0x23e: {  	[tilespmem:s2], [sflag:$0x1] =	stream.linear.gather [hbm4b:s30+s2], $0xC800, $0x38;
	[tilespmem:$0x19000] =	vst v63  }
0x23f: {  	_ =	swait.ge [sflag:s7], $0xC800  }
0x240: {  	[sflag:s7] =	ssyncset.done $0x0  }
0x241: {  	[sflag:s7] =	ssyncadd.s32 $0xFFFF3800  }
0x242: {  	[hbm4b:s29+s2] =	stream.linear.scatter [tilespmem:s2], [sflag:$0x3], $0xC800, $0x38;
	[tilespmem:$0x19000] =	vst v63  }
0x243: {  	_ =	swait.ge [sflag:s8], $0xC800  }
0x244: {  	[sflag:s8] =	ssyncset.done $0x0  }
0x245: {  	[sflag:s8] =	ssyncadd.s32 $0xFFFF3800  }
0x246: {  	[tilespmem:s12], [sflag:$0x2] =	stream.linear.gather [hbm4b:s28+s2], $0xC800, $0x38;
	[tilespmem:$0x19000] =	vst v63  }
0x247: {  	_ =	swait.ge [sflag:s14], $0xC800  }
0x248: {  	[sflag:s14] =	ssyncset.done $0x0  }
0x249: {  	[sflag:s14] =	ssyncadd.s32 $0xFFFF3800  }
0x24a: {  	[hbm4b:s26+s2] =	stream.linear.scatter [tilespmem:s12], [sflag:$0x4], $0xC800, $0x38;
	[tilespmem:$0x19000] =	vst v63  }
0x24b: {  	_ =	swait.ge [sflag:s4], $0xC800  }
0x24c: {  	[sflag:s4] =	ssyncset.done $0x0  }
0x24d: {  	[sflag:s4] =	ssyncadd.s32 $0xFFFF3800  }
0x24e: {  	[tilespmem:s2], [sflag:$0x1] =	stream.linear.gather [hbm4b:s25+s2], $0xC800, $0x38;
	[tilespmem:$0x19000] =	vst v63  }
0x24f: {  	_ =	swait.ge [sflag:s7], $0xC800  }
0x250: {  	[sflag:s7] =	ssyncset.done $0x0  }
0x251: {  	[sflag:s7] =	ssyncadd.s32 $0xFFFF3800  }
0x252: {  	[hbm4b:s24+s2] =	stream.linear.scatter [tilespmem:s2], [sflag:$0x3], $0xC800, $0x38;
	[tilespmem:$0x19000] =	vst v63  }
0x253: {  	_ =	swait.ge [sflag:s8], $0xC800  }
0x254: {  	[sflag:s8] =	ssyncset.done $0x0  }
0x255: {  	[sflag:s8] =	ssyncadd.s32 $0xFFFF3800  }
0x256: {  	[tilespmem:s12], [sflag:$0x2] =	stream.linear.gather [hbm4b:s23+s2], $0xC800, $0x38;
	[tilespmem:$0x19000] =	vst v63  }
0x257: {  	_ =	swait.ge [sflag:s14], $0xC800  }
0x258: {  	[sflag:s14] =	ssyncset.done $0x0  }
0x259: {  	[sflag:s14] =	ssyncadd.s32 $0xFFFF3800  }
0x25a: {  	[hbm4b:s22+s2] =	stream.linear.scatter [tilespmem:s12], [sflag:$0x4], $0xC800, $0x38;
	[tilespmem:$0x19000] =	vst v63  }
0x25b: {  	_ =	swait.ge [sflag:s4], $0xC800  }
0x25c: {  	[sflag:s4] =	ssyncset.done $0x0  }
0x25d: {  	[sflag:s4] =	ssyncadd.s32 $0xFFFF3800  }
0x25e: {  	[tilespmem:s2], [sflag:$0x1] =	stream.linear.gather [hbm4b:s21+s2], $0xC800, $0x38;
	[tilespmem:$0x19000] =	vst v63  }
0x25f: {  	_ =	swait.ge [sflag:s7], $0xC800  }
0x260: {  	[sflag:s7] =	ssyncset.done $0x0  }
0x261: {  	[sflag:s7] =	ssyncadd.s32 $0xFFFF3800  }
0x262: {  	[hbm4b:s20+s2] =	stream.linear.scatter [tilespmem:s2], [sflag:$0x3], $0xC800, $0x38;
	[tilespmem:$0x19000] =	vst v63  }
0x263: {  	_ =	swait.ge [sflag:s8], $0xC800  }
0x264: {  	[sflag:s8] =	ssyncset.done $0x0  }
0x265: {  	[sflag:s8] =	ssyncadd.s32 $0xFFFF3800  }
0x266: {  	[tilespmem:s12], [sflag:$0x2] =	stream.linear.gather [hbm4b:s19+s2], $0xC800, $0x38;
	[tilespmem:$0x19000] =	vst v63  }
0x267: {  	_ =	swait.ge [sflag:s14], $0xC800  }
0x268: {  	[sflag:s14] =	ssyncset.done $0x0  }
0x269: {  	[sflag:s14] =	ssyncadd.s32 $0xFFFF3800  }
0x26a: {  	[hbm4b:s18+s2] =	stream.linear.scatter [tilespmem:s12], [sflag:$0x4], $0xC800, $0x38;
	[tilespmem:$0x19000] =	vst v63  }
0x26b: {  	_ =	swait.ge [sflag:s4], $0xC800  }
0x26c: {  	[sflag:s4] =	ssyncset.done $0x0  }
0x26d: {  	[sflag:s4] =	ssyncadd.s32 $0xFFFF3800  }
0x26e: {  	[tilespmem:s2], [sflag:$0x1] =	stream.linear.gather [hbm4b:s17+s2], $0xC800, $0x38;
	[tilespmem:$0x19000] =	vst v63  }
0x26f: {  	_ =	swait.ge [sflag:s7], $0xC800  }
0x270: {  	[sflag:s7] =	ssyncset.done $0x0  }
0x271: {  	[sflag:s7] =	ssyncadd.s32 $0xFFFF3800  }
0x272: {  	[hbm4b:s16+s2] =	stream.linear.scatter [tilespmem:s2], [sflag:$0x3], $0xC800, $0x38;
	[tilespmem:$0x19000] =	vst v63  }
0x273: {  	_ =	swait.ge [sflag:s8], $0xC800  }
0x274: {  	[sflag:s8] =	ssyncset.done $0x0  }
0x275: {  	[sflag:s8] =	ssyncadd.s32 $0xFFFF3800  }
0x276: {  	[tilespmem:s12], [sflag:$0x2] =	stream.linear.gather [hbm4b:s15+s2], $0xC800, $0x38;
	[tilespmem:$0x19000] =	vst v63  }
0x277: {  	_ =	swait.ge [sflag:s14], $0xC800  }
0x278: {  	[sflag:s14] =	ssyncset.done $0x0  }
0x279: {  	[sflag:s14] =	ssyncadd.s32 $0xFFFF3800  }
0x27a: {  	[hbm4b:s13+s2] =	stream.linear.scatter [tilespmem:s12], [sflag:$0x4], $0xC800, $0x38;
	[tilespmem:$0x19000] =	vst v63  }
0x27b: {  	_ =	swait.ge [sflag:s4], $0xC800  }
0x27c: {  	[sflag:s4] =	ssyncset.done $0x0  }
0x27d: {  	[sflag:s4] =	ssyncadd.s32 $0xFFFF3800  }
0x27e: {  	[tilespmem:s2], [sflag:$0x1] =	stream.linear.gather [hbm4b:s11+s2], $0xC800, $0x38;
	[tilespmem:$0x19000] =	vst v63  }
0x27f: {  	_ =	swait.ge [sflag:s7], $0xC800  }
0x280: {  	[sflag:s7] =	ssyncset.done $0x0  }
0x281: {  	[sflag:s7] =	ssyncadd.s32 $0xFFFF3800  }
0x282: {  	[hbm4b:s10+s2] =	stream.linear.scatter [tilespmem:s2], [sflag:$0x3], $0xC800, $0x38;
	[tilespmem:$0x19000] =	vst v63  }
0x283: {  	_ =	swait.ge [sflag:s8], $0xC800  }
0x284: {  	[sflag:s8] =	ssyncset.done $0x0  }
0x285: {  	[sflag:s8] =	ssyncadd.s32 $0xFFFF3800  }
0x286: {  	[tilespmem:s12], [sflag:$0x2] =	stream.linear.gather [hbm4b:s9+s2], $0xC800, $0x38;
	[tilespmem:$0x19000] =	vst v63  }
0x287: {  	_ =	swait.ge [sflag:s14], $0xC800  }
0x288: {  	[sflag:s14] =	ssyncset.done $0x0  }
0x289: {  	[sflag:s14] =	ssyncadd.s32 $0xFFFF3800  }
0x28a: {  	[hbm4b:s6+s2] =	stream.linear.scatter [tilespmem:s12], [sflag:$0x4], $0xC800, $0x38;
	[tilespmem:$0x19000] =	vst v63  }
0x28b: {  	_ =	swait.ge [sflag:s4], $0xC800  }
0x28c: {  	[sflag:s4] =	ssyncset.done $0x0  }
0x28d: {  	[sflag:s4] =	ssyncadd.s32 $0xFFFF3800  }
0x28e: {  	[tilespmem:s2], [sflag:$0x1] =	stream.linear.gather [hbm4b:s5+s2], $0xC800, $0x38;
	[tilespmem:$0x19000] =	vst v63  }
0x28f: {  	_ =	swait.ge [sflag:s7], $0xC800  }
0x290: {  	[sflag:s7] =	ssyncset.done $0x0  }
0x291: {  	[sflag:s7] =	ssyncadd.s32 $0xFFFF3800  }
0x292: {  	[hbm4b:s3+s2] =	stream.linear.scatter [tilespmem:s2], [sflag:$0x3], $0xC800, $0x38;
	[tilespmem:$0x19000] =	vst v63  }
0x293: {  	_ =	swait.ge [sflag:s8], $0xC800  }
0x294: {  	[sflag:s8] =	ssyncset.done $0x0  }
0x295: {  	[sflag:s8] =	ssyncadd.s32 $0xFFFF3800  }
0x296: {  	_ =	swait.ge [sflag:s4], $0xC800  }
0x297: {  	[sflag:s4] =	ssyncset.done $0x0  }
0x298: {  	[sflag:s4] =	ssyncadd.s32 $0xFFFF3800  }
0x299: {  	_ =	sfence.sel $0x180000  }
0x29a: {  	[bflag:$0x0] =	sbarrier.arrive $0xFFFF  }
0x29b: {  	_ =	strace $0x9000004A  }
0x29c: {  	s31 =	stileid.u32;
	[bflag:$0x2] =	sbarrier.arrive $0xFFFF  }
0x29d: {  	p0 =	sne.s32 s31, $0x0;
	s0 =	rddreg [dreg:$0x2]  }
0x29e: {  	s0 =	sadd.s32 @!p0 $0x100000, s0  }
0x29f: {  	[sflag:s0] =	ssyncadd.tile.s32 @!p0 $0x1;
	_ =	shalt  }
.Lfunc_end2:
_tile_overlayer_lowered:
.L_overlay_start_2:
0x2a0: {  	(tag) =	ssettag $0x2  }
0x2a1: {  	s0 =	rddreg [dreg:$0x0];
	s2 =	stileid.u32  }
0x2a2: {  	s1 =	rddreg [dreg:$0x1];
	p0 =	sne.s32 s2, $0x0  }
0x2a3: {  	s3 =	rddreg [dreg:$0x2];
	[bflag:$0x3] =	sbarrier.arrive $0xFFFF;
	s2 =	simm.s32 @!p0 $0x1C05  }
0x2a4: {  	[timem:s3], [sflag:s2] =	dma.local @!p0 [hbm:s0], s1  }
0x2a5: {  	s0 =	simm.s32 @!p0 $0x5  }
0x2a6: {  	_ =	swait.ge @!p0 [sflag:s0], s1  }
0x2a7: {  	s1 =	ssub.s32 @!p0 $0x0, s1;
	[sflag:s0] =	ssyncset.done @!p0 $0x0  }
0x2a8: {  	[sflag:s0] =	ssyncadd.s32 @!p0 s1  }
0x2a9: {  	[bflag:$0x3] =	sbarrier.arrive $0xFFFF  }
0x2aa: {  	_ =	shalt  }

// kernel: sparse-core-data-format-call.cloned.1.call-start
scs
called_computation_lowered:
.L_overlay_start_0:
0x0: {  	s2 =	sld [smem:$0x3FD9]  }
0x1: {  	s3 =	sld [smem:$0x3FFE];
	_ =	sdelay $0x1  }
0x2: {  	s1 =	srdreg.scid  }
0x3: {  	s0 =	sand.u32 $0x1, s1  }
0x4: {  	s16 =	sshll.u32 s0, $0xA;
	s2 =	sadd.s32 s3, s2  }
0x5: {  	s2 =	sadd.s32 s2, s16  }
0x6: {  	[smem:$0x3FC6] =	sst s2  }
0x7: {  	_ = 	snop  }
0x8: {  	s2 =	sld [smem:$0x3FD0];
	_ =	sdelay $0x2  }
0x9: {  	s4 =	simm.s32 $0xA;
	s5 =	simm.s32 $0x10;
	s17 =	sld [smem:$0x3FC8]  }
0xa: {  	[smem:s5], [sflag:s4] =	dma.local [hbm:s2], $0x1  }
0xb: {  	_ =	swait.eq [sflag:s4], $0x1  }
0xc: {  	[sflag:s4] =	ssyncset.done $0x0  }
0xd: {  	[sflag:s4] =	ssyncadd.s32 $0xFFFFFFFF  }
0xe: {  	s18 =	sld [smem:$0x12];
	(tm) =	ssettm $0x1  }
0xf: {  	s19 =	sld [smem:$0x3FFB];
	_ =	sdelay $0x3  }
0x10: {  	_ =	strace s19  }
0x11: {  	s4 =	sld [smem:$0x3FFC];
	_ =	sdelay $0x3  }
0x12: {  	_ =	strace s4  }
0x13: {  	s4 =	sld [smem:$0x3FFD];
	_ =	sdelay $0x3  }
0x14: {  	_ =	strace s4  }
0x15: {  	_ =	strace $0x8FFFFFFF  }
0x16: {  	s20 =	sld [smem:$0x3FDB];
	_ =	sdelay $0x1  }
0x17: {  	s21 =	simm.s32 $_scs_section_size  }
0x18: {  	s6 =	simm.s32 $_size__tile_overlayer_lowered;
	s7 =	simm.s32 $_tile_overlayer_lowered  }
0x19: {  	s24 =	simm.s32 $0x1BFF;
	s23 =	sshll.u32 s7, $0x1;
	s4 =	sadd.s32 s21, s20  }
0x1a: {  	s8 =	simm.s32 $0x0;
	s22 =	sshll.u32 s6, $0x1;
	s6 =	sadd.s32 s23, s4  }
0x1b: {  	[timem:s8], [sflag:s24] =	dma.local [hbm:s6], s22  }
0x1c: {  	_ =	swait.ge [sflag:s24], s22  }
0x1d: {  	s5 =	ssub.s32 $0x0, s22;
	[sflag:s24] =	ssyncset.done $0x0  }
0x1e: {  	[sflag:s24] =	ssyncadd.s32 s5;
	_ =	sdelay $0x1  }
0x1f: {  	s25 =	simm.s32 $0x1B8B  }
0x20: {  	_ =	swait.ge [sflag:s25], $0x1  }
0x21: {  	[sflag:s25] =	ssyncset.done $0x0  }
0x22: {  	s26 =	simm.s32 $0x1B8E;
	[sflag:s25] =	ssyncadd.s32 $0xFFFFFFFF  }
0x23: {  	s27 =	simm.s32 $execute0_lowered;
	[smem:$0x3FD2] =	sst s26  }
0x24: {  	s5 =	sshll.u32 s27, $0x1;
	_ =	strace $0x80000046;
	[dreg:$0x1] =	wrdreg $0xFFFFFFFF  }
0x25: {  	s28 =	simm.s32 $_size_execute0_lowered;
	s4 =	sadd.s32 s4, s5;
	[dreg:$0x0] =	wrdreg $0x0  }
0x26: {  	s5 =	sshll.u32 s28, $0x1;
	[dreg:$0x2] =	wrdreg s4  }
0x27: {  	[dreg:$0x3] =	wrdreg s5  }
0x28: {  	[dreg:$0x4] =	wrdreg $0xC0  }
0x29: {  	_ =	task [dreg:s8], $0x5FFFF  }
0x2a: {  	[dreg:$0x1] =	wrdreg $0xFFFFFFFF  }
0x2b: {  	[dreg:$0x0] =	wrdreg $0x60  }
0x2c: {  	[dreg:$0x2] =	wrdreg s17  }
0x2d: {  	[dreg:$0x3] =	wrdreg s18  }
0x2e: {  	[dreg:$0x4] =	wrdreg $0x9  }
0x2f: {  	_ =	task.clear_ibuf [dreg:s8], $0x5FFFF;
	_ =	strace $0x90000046  }
0x30: {  	s29 =	simm.s32 $0x9;
	_ =	strace $0x80000048  }
0x31: {  	_ =	swait.ge [sflag:s29], $0x1  }
0x32: {  	[sflag:s29] =	ssyncadd.s32 $0xFFFFFFFF  }
0x33: {  	_ =	strace $0x90000048  }
0x34: {  	_ =	sfence  }
0x35: {  	s30 =	sld [smem:$0x0];
	_ =	sdelay $0x2  }
0x36: {  	s31 =	sshll.u32 s1, $0xD;
	s1 =	sshrl.u32 s1, $0x2  }
0x37: {  	s3 =	sand.u32 $0x4000, s31;
	s1 =	sadd.s32 s1, s30  }
0x38: {  	s0 =	sor.u32 s3, s0;
	s1 =	sshll.u32 s1, $0x11  }
0x39: {  	s0 =	sor.u32 s1, s0  }
0x3a: {  	s0 =	sadd.s32 $0x8F2B, s0  }
0x3b: {  	[sflag:s0] =	ssyncadd.remote.s32 $0x1  }
0x3c: {  	_ =	sfence.sel $0xFFFF  }
0x3d: {  	[dreg:$0x0] =	wrdreg $0xFFFFFFFF;
	(pc) =	sbr.abs _section_cstart, $3  }
0x3e: {  	[dreg:$0x1] =	wrdreg $0xFFFFFFFF  }
0x3f: {  	_ =	task.clear_ibuf [dreg:s8], $0x2FFFF;
	_ =	strace $0x9FFFFFFF  }
0x40: {  	(tm) =	ssettm $0x7FFFFFFF  }
0x41: {  	_ =	shalt  }
tec
execute0_lowered:
.L_overlay_start_1:
0x0: {  	(tag) =	ssettag $0x1  }
0x1: {  	s0 =	srdreg.scid;
	s2 =	rddreg [dreg:$0x0]  }
0x2: {  	s3 =	rddreg [dreg:$0x1];
	s1 =	stileid.u32  }
0x3: {  	s5 =	simm.s32 $0x1;
	s7 =	simm.s32 $0x2;
	s0 =	sshll.u32 s0, $0x4  }
.Ltmp0:
0x4: {  	s8 =	simm.s32 $0x0;
	s4 =	sand.u32 $0x10, s0;
	(pc) =	sbr.rel .LBB1_1-.Ltmp0, $4  }
0x5: {  	s9 =	simm.s32 $0x0;
	s12 =	simm.s32 $0x0;
	s4 =	sor.u32 s1, s4  }
0x6: {  	s0 =	rddreg [dreg:$0x2];
	_ =	strace $0x80000047;
	s6 =	ssub.s32 $0x9E3, s4  }
0x7: {  	s11 =	simm.s32 $0x0;
	[sflag:s5] =	ssyncpa.u1 $0x0;
	s6 =	sshrl.u32 s6, $0x5  }
0x8: {  	[sflag:s7] =	ssyncpa.u1 $0x0;
	s10 =	smov.u32 s4;
	s7 =	sadd.s32 $0x1, s6  }
.LBB1_7:
0x9: {  	s14 =	sadd.s32 $0x20, s10  }
0xa: {  	p1 =	sgt.s32 s14, $0x9C3  }
0xb: {  	s14 =	smov.u32 @p1 s4;
	p1 =	sne.s32 s11, s7  }
.Ltmp1:
0xc: {  	p0 =	slt.u32 s11, $0x2;
	(pc) =	sbr.rel @!p1 .LBB1_8-.Ltmp1, $4  }
0xd: {  	s13 =	simm.s32 @!p0 $0x2  }
0xe: {  	s15 =	sadd.s32 $0x1, s11;
	_ =	swait.ge @!p0 [sflag:s13], $0x4000  }
0xf: {  	s12 =	smov.u32 s10;
	s9 =	sadd.s32 $0x4000, s9;
	[sflag:s13] =	ssyncset.done @!p0 $0x0  }
0x10: {  	s11 =	smov.u32 s15;
	s10 =	smov.u32 s14;
	[sflag:s13] =	ssyncadd.s32 @!p0 $0xFFFFC000  }
.LBB1_1:
0x11: {  	p0 =	sge.u32 s11, s6  }
0x12: {  	s13 =	sxor.u32 @!p0 $0xFFFFFFFF, s11  }
0x13: {  	s31 =	sadd.s32 $0xFFFFFFFF, s11;
	s14 =	sshll.u32 @!p0 s10, $0xB;
	s13 =	sshll.u32 @!p0 s13, $0xE  }
0x14: {  	s15 =	simm.s32 @!p0 $0x0;
	s14 =	sadd.s32 @!p0 s2, s14;
	s13 =	sand.u32 @!p0 $0x4000, s13  }
0x15: {  	[tilespmem:s13], [sflag:$0x1] =	stream.linear.gather @!p0 [hbm4b:s14+s15], $0x4000, $0x38;
	[tilespmem:$0x10000] =	vst v63  }
0x16: {  	p0 =	sge.u32 s31, s6  }
.Ltmp2:
0x17: {  	_ = 	snop;
	(pc) =	sbr.rel @p0 .LBB1_7-.Ltmp2, $1  }
0x18: {  	_ =	sdelay $0x3  }
0x19: {  	s14 =	sand.u32 $0x4000, s9  }
0x1a: {  	_ =	swait.ge [sflag:s5], $0x4000;
	s15 =	sshll.u32 s11, $0xE;
	s16 =	simm.s32 $0x0  }
0x1b: {  	s13 =	sor.u32 $0x8040, s14;
	[sflag:s5] =	ssyncset.done $0x0;
	s15 =	sand.u32 $0x4000, s15  }
0x1c: {  	s14 =	sor.u32 $0x40, s14;
	[sflag:s5] =	ssyncadd.s32 $0xFFFFC000;
	s15 =	sor.u32 $0x8000, s15  }
.LBB1_3:
0x1d: {  	v0 =	vmov s14;
	_ =	sdelay $0x3  }
0x1e: {  	s18 =	simm.s32 $0x0  }
0x1f: {  	v6 =	vld.idx.msk [tilespmem:v0+s18+$0x30 ss:$0x1], $0xffff  }
0x20: {  	v7 =	vld.idx.msk [tilespmem:v0+s18+$0xFFFFFFC0 ss:$0x1], $0xffff  }
0x21: {  	v5 =	vld.idx.msk [tilespmem:v0+s18+$0xFFFFFFD0 ss:$0x1], $0xffff  }
0x22: {  	v4 =	vld.idx.msk [tilespmem:v0+s18+$0xFFFFFFE0 ss:$0x1], $0xffff  }
0x23: {  	v3 =	vld.idx.msk [tilespmem:v0+s18+$0xFFFFFFF0 ss:$0x1], $0xffff  }
0x24: {  	v1 =	vld.idx.msk [tilespmem:v0+s18+$0x0 ss:$0x1], $0xffff  }
0x25: {  	v2 =	vld.idx.msk [tilespmem:v0+s18+$0x10 ss:$0x1], $0xffff;
	[tilespmem:s13+$0x30] =	vst v6  }
0x26: {  	s17 =	simm.s32 $0x80;
	s19 =	simm.s32 $0x400;
	[tilespmem:s13+$0xFFFFFFC0] =	vst v7;
	v6 =	vld.idx.msk [tilespmem:v0+s18+$0x20 ss:$0x1], $0xffff;
	s18 =	smov.u32 s13  }
.LBB1_4:
0x27: {  	p0 =	sne.s32 s19, $0xE00;
	v7 =	vld.idx.msk [tilespmem:v0+s17+$0x30 ss:$0x1], $0xffff;
	[tilespmem:s18+$0xFFFFFFD0] =	vst v5  }
0x28: {  	v8 =	vld.idx.msk [tilespmem:v0+s17+$0xFFFFFFC0 ss:$0x1], $0xffff;
	[tilespmem:s18+$0xFFFFFFE0] =	vst v4  }
0x29: {  	v5 =	vld.idx.msk [tilespmem:v0+s17+$0xFFFFFFD0 ss:$0x1], $0xffff;
	[tilespmem:s18+$0xFFFFFFF0] =	vst v3  }
.Ltmp3:
0x2a: {  	v4 =	vld.idx.msk [tilespmem:v0+s17+$0xFFFFFFE0 ss:$0x1], $0xffff;
	[tilespmem:s18+$0x0] =	vst v1;
	(pc) =	sbr.rel @p0 .LBB1_4-.Ltmp3, $4  }
0x2b: {  	v3 =	vld.idx.msk [tilespmem:v0+s17+$0xFFFFFFF0 ss:$0x1], $0xffff;
	[tilespmem:s18+$0x10] =	vst v2  }
0x2c: {  	v1 =	vld.idx.msk [tilespmem:v0+s17+$0x0 ss:$0x1], $0xffff;
	[tilespmem:s18+$0x20] =	vst v6;
	s18 =	sadd.s32 $0x800, s18  }
0x2d: {  	v2 =	vld.idx.msk [tilespmem:v0+s17+$0x10 ss:$0x1], $0xffff;
	[tilespmem:s18+$0x30] =	vst v7  }
0x2e: {  	[tilespmem:s18+$0xFFFFFFC0] =	vst v8;
	v6 =	vld.idx.msk [tilespmem:v0+s17+$0x20 ss:$0x1], $0xffff;
	s17 =	sshra.s32 s19, $0x2;
	s19 =	sadd.s32 $0x200, s19  }
0x2f: {  	_ =	sdelay $0x2  }
0x30: {  	[tilespmem:s18+$0xFFFFFFD0] =	vst v5  }
0x31: {  	v56 =	vld.idx.msk [tilespmem:v0+s17+$0x30 ss:$0x1], $0xffff;
	[tilespmem:s18+$0xFFFFFFE0] =	vst v4  }
0x32: {  	v57 =	vld.idx.msk [tilespmem:v0+s17+$0xFFFFFFC0 ss:$0x1], $0xffff;
	[tilespmem:s18+$0xFFFFFFF0] =	vst v3  }
0x33: {  	v58 =	vld.idx.msk [tilespmem:v0+s17+$0xFFFFFFD0 ss:$0x1], $0xffff;
	[tilespmem:s18+$0x0] =	vst v1  }
0x34: {  	v59 =	vld.idx.msk [tilespmem:v0+s17+$0xFFFFFFE0 ss:$0x1], $0xffff;
	[tilespmem:s18+$0x10] =	vst v2  }
0x35: {  	v60 =	vld.idx.msk [tilespmem:v0+s17+$0xFFFFFFF0 ss:$0x1], $0xffff;
	s31 =	sadd.s32 $0x800, s18;
	[tilespmem:s18+$0x20] =	vst v6  }
0x36: {  	v61 =	vld.idx.msk [tilespmem:v0+s17+$0x0 ss:$0x1], $0xffff;
	[tilespmem:s31+$0x30] =	vst v56  }
0x37: {  	v62 =	vld.idx.msk [tilespmem:v0+s17+$0x10 ss:$0x1], $0xffff;
	s16 =	sadd.s32 $0x1, s16;
	[tilespmem:s31+$0xFFFFFFC0] =	vst v57  }
0x38: {  	v63 =	vld.idx.msk [tilespmem:v0+s17+$0x20 ss:$0x1], $0xffff;
	p0 =	sne.s32 s16, $0x10;
	[tilespmem:s31+$0xFFFFFFD0] =	vst v58  }
.Ltmp4:
0x39: {  	[tilespmem:s31+$0xFFFFFFE0] =	vst v59;
	(pc) =	sbr.rel @p0 .LBB1_3-.Ltmp4, $4  }
0x3a: {  	[tilespmem:s31+$0xFFFFFFF0] =	vst v60  }
0x3b: {  	[tilespmem:s31+$0x0] =	vst v61  }
0x3c: {  	[tilespmem:s31+$0x10] =	vst v62  }
0x3d: {  	s13 =	sadd.s32 $0x80, s13;
	s14 =	sadd.s32 $0x400, s14;
	[tilespmem:s31+$0x20] =	vst v63  }
.Ltmp5:
0x3e: {  	(pc) =	sbr.rel .LBB1_7-.Ltmp5, $4  }
0x3f: {  	_ = 	snop  }
0x40: {  	s12 =	sshll.u32 s12, $0xB  }
0x41: {  	s12 =	sadd.s32 s3, s12  }
0x42: {  	[hbm4b:s12+s8] =	stream.linear.scatter [tilespmem:s15], [sflag:$0x2], $0x4000, $0x38;
	[tilespmem:$0x10000] =	vst v63  }
.LBB1_8:
0x43: {  	_ =	sfence.sel $0x180000  }
0x44: {  	s2 =	simm.s32 $0x1;
	[bflag:$0x0] =	sbarrier.arrive $0xFFFF  }
0x45: {  	s31 =	simm.s32 $0x2;
	[sflag:s2] =	ssyncpa.u1 $0x1  }
0x46: {  	[sflag:s31] =	ssyncpa.u1 $0x1  }
0x47: {  	p0 =	sne.s32 s1, $0x0;
	_ =	strace $0x90000047  }
0x48: {  	s0 =	sadd.s32 @!p0 $0x100000, s0;
	[bflag:$0x2] =	sbarrier.arrive $0xFFFF  }
0x49: {  	[sflag:s0] =	ssyncadd.tile.s32 @!p0 $0x1;
	_ =	shalt  }
.Lfunc_end1:
_tile_overlayer_lowered:
.L_overlay_start_2:
0x4a: {  	(tag) =	ssettag $0x2  }
0x4b: {  	s0 =	rddreg [dreg:$0x0];
	s2 =	stileid.u32  }
0x4c: {  	s1 =	rddreg [dreg:$0x1];
	p0 =	sne.s32 s2, $0x0  }
0x4d: {  	s3 =	rddreg [dreg:$0x2];
	[bflag:$0x3] =	sbarrier.arrive $0xFFFF;
	s2 =	simm.s32 @!p0 $0x1C01  }
0x4e: {  	[timem:s3], [sflag:s2] =	dma.local @!p0 [hbm:s0], s1  }
0x4f: {  	s0 =	simm.s32 @!p0 $0x1  }
0x50: {  	_ =	swait.ge @!p0 [sflag:s0], s1  }
0x51: {  	s1 =	ssub.s32 @!p0 $0x0, s1;
	[sflag:s0] =	ssyncset.done @!p0 $0x0  }
0x52: {  	[sflag:s0] =	ssyncadd.s32 @!p0 s1  }
0x53: {  	[bflag:$0x3] =	sbarrier.arrive $0xFFFF  }
0x54: {  	_ =	shalt  }

</sc_bundles>
